<compile_context>
chip_gen: v7x
topology: tpu7x:2x2x1
jax: 0.10.2.dev20260603
libtpu: 0.0.44.dev20260713+nightly
codegen_flags: <defaults>
</compile_context>

<pallas_src>
import jax
import jax.numpy as jnp
from jax import lax
from jax.experimental import pallas as pl
from jax.experimental.pallas import tpu as pltpu
from jax.experimental.pallas import tpu_sc as plsc

BLOCK = 8192
EMBD = 1024
NC = 2
NS = 16
NW = NC * NS
BPW = BLOCK // NW
CHUNK = 32
NCHUNK = BPW // CHUNK
NBUF = 3


def _body(pos_hbm, table_hbm, out_hbm, idx_v, buf0, buf1, buf2, gsem0,
          gsem1, gsem2, osem0, osem1, osem2):
    wid = lax.axis_index("s") * NC + lax.axis_index("c")
    base = wid * BPW
    pltpu.sync_copy(pos_hbm.at[pl.ds(base, BPW)], idx_v)

    bufs = (buf0, buf1, buf2)
    gsems = (gsem0, gsem1, gsem2)
    osems = (osem0, osem1, osem2)

    def start_gather(c):
        return pltpu.async_copy(
            table_hbm.at[idx_v.at[pl.ds(c * CHUNK, CHUNK)]],
            bufs[c % NBUF], gsems[c % NBUF])

    out_copies = [None] * NCHUNK
    gathers = [None] * NCHUNK
    gathers[0] = start_gather(0)
    for c in range(NCHUNK):
        b = c % NBUF
        gathers[c].wait()
        out_copies[c] = pltpu.async_copy(
            bufs[b], out_hbm.at[pl.ds(base + c * CHUNK, CHUNK)], osems[b])
        if c + 1 < NCHUNK:
            if c + 1 >= NBUF:
                out_copies[c + 1 - NBUF].wait()
            gathers[c + 1] = start_gather(c + 1)
    for c in range(max(0, NCHUNK - NBUF + 1), NCHUNK):
        out_copies[c].wait()


def kernel(position, table):
    run = pl.kernel(
        _body,
        out_type=jax.ShapeDtypeStruct((BLOCK, EMBD), jnp.float32),
        mesh=plsc.VectorSubcoreMesh(core_axis_name="c", subcore_axis_name="s"),
        scratch_types=[
            pltpu.VMEM((BPW,), jnp.int32),
            pltpu.VMEM((CHUNK, EMBD), jnp.float32),
            pltpu.VMEM((CHUNK, EMBD), jnp.float32),
            pltpu.VMEM((CHUNK, EMBD), jnp.float32),
            pltpu.SemaphoreType.DMA,
            pltpu.SemaphoreType.DMA,
            pltpu.SemaphoreType.DMA,
            pltpu.SemaphoreType.DMA,
            pltpu.SemaphoreType.DMA,
            pltpu.SemaphoreType.DMA,

        ],
    )
    return run(position.astype(jnp.int32), table)

# --- scband reference (transcript-rebuilt; emitter-appended) ---
"""Pipeline reference for scband-positional-embedding-3745211482491 (READ-ONLY COPY).

The authoritative reference and input builder live on the scoring server;
editing this copy changes nothing except your own understanding.
"""

import jax, jax.numpy as jnp
import numpy as np

BLOCK_SIZE = 8192
N_EMBD = 1024


def setup_inputs(seed: int = 0) -> dict:
    key = jax.random.key(seed)
    k_tab, _ = jax.random.split(key)
    position = jnp.arange(BLOCK_SIZE, dtype=jnp.int64) if jax.config.jax_enable_x64 else jnp.arange(BLOCK_SIZE, dtype=jnp.int32)
    table = jax.random.normal(k_tab, (BLOCK_SIZE, N_EMBD), dtype=jnp.float32) * 0.02
    return {"position": position, "table": table}


def reference(position, table):
    # nn.Embedding forward == row gather from the learned table
    return jnp.take(table, position, axis=0)

if __name__ == "__main__":
    import jax
    _d = setup_inputs()
    print(jax.jit(kernel)(*tuple(_d.values())))

</pallas_src>

<mosaic_0001>
#map = affine_map<(d0, d1) -> (0)>
#map1 = affine_map<(d0, d1) -> (0, 0)>
module attributes {stable_mosaic.version = 14 : i64} {
  func.func @_body(%arg0: i32, %arg1: i32, %arg2: memref<8192xi32, #tpu.memory_space<hbm>>, %arg3: memref<8192x1024xf32, #tpu.memory_space<hbm>>, %arg4: memref<8192x1024xf32, #tpu.memory_space<hbm>>, %arg5: memref<256xi32, #tpu.memory_space<vmem>>, %arg6: memref<32x1024xf32, #tpu.memory_space<vmem>>, %arg7: memref<32x1024xf32, #tpu.memory_space<vmem>>, %arg8: memref<32x1024xf32, #tpu.memory_space<vmem>>, %arg9: memref<!tpu.dma_semaphore, #tpu.memory_space<semaphore_mem>>, %arg10: memref<!tpu.dma_semaphore, #tpu.memory_space<semaphore_mem>>, %arg11: memref<!tpu.dma_semaphore, #tpu.memory_space<semaphore_mem>>, %arg12: memref<!tpu.dma_semaphore, #tpu.memory_space<semaphore_mem>>, %arg13: memref<!tpu.dma_semaphore, #tpu.memory_space<semaphore_mem>>, %arg14: memref<!tpu.dma_semaphore, #tpu.memory_space<semaphore_mem>>) attributes {dimension_semantics = [#tpu.dimension_semantics<core_parallel>, #tpu.dimension_semantics<subcore_parallel>], iteration_bounds = array<i64: 2, 16>, scalar_prefetch = 0 : i64, scratch_operands = 10 : i64, tpu.core_type = #tpu.core_type<sc_vector_subcore>, window_params = [{transform_indices = #map}, {transform_indices = #map1}, {transform_indices = #map1}]} {
    %mul3A = arith.constant 2 : i32
    %mul3A_0 = arith.muli %arg1, %mul3A : i32
    %add3A = arith.addi %mul3A_0, %arg0 : i32
    %mul3A_1 = arith.constant 256 : i32
    %mul3A_2 = arith.muli %add3A, %mul3A_1 : i32
    "tpu.region"() ({
      %run_scoped3A = tpu.sem_alloc : memref<!tpu.dma_semaphore, #tpu.memory_space<semaphore_mem>>
      %dma_start3A_157 = tpu.memref_slice %arg2[%mul3A_2] : memref<8192xi32, #tpu.memory_space<hbm>> -> memref<256xi32, #tpu.memory_space<hbm>>
      %dma_start3A_158 = tpu.memref_slice %arg2[%mul3A_2] : memref<8192xi32, #tpu.memory_space<hbm>> -> memref<256xi32, #tpu.memory_space<hbm>>
      tpu.enqueue_dma source(%dma_start3A_158 : memref<256xi32, #tpu.memory_space<hbm>>) target(%arg5 : memref<256xi32, #tpu.memory_space<vmem>>) target_semaphore(%run_scoped3A : memref<!tpu.dma_semaphore, #tpu.memory_space<semaphore_mem>>)
      %dma_wait3A_159 = tpu.memref_slice %arg2[%mul3A_2] : memref<8192xi32, #tpu.memory_space<hbm>> -> memref<256xi32, #tpu.memory_space<hbm>>
      %dma_wait3A_160 = tpu.memref_slice %arg2[%mul3A_2] : memref<8192xi32, #tpu.memory_space<hbm>> -> memref<256xi32, #tpu.memory_space<hbm>>
      tpu.wait_dma2 semaphore(%run_scoped3A : memref<!tpu.dma_semaphore, #tpu.memory_space<semaphore_mem>>) src(%dma_wait3A_160 : memref<256xi32, #tpu.memory_space<hbm>>) dst(%arg5 : memref<256xi32, #tpu.memory_space<vmem>>)
      tpu.yield
    }) : () -> ()
    %dma_start3A = arith.constant 0 : i32
    %dma_start3A_3 = tpu.memref_slice %arg5[%dma_start3A] : memref<256xi32, #tpu.memory_space<vmem>> -> memref<32xi32, #tpu.memory_space<vmem>>
    %dma_start3A_4 = arith.constant 0 : i32
    %dma_start3A_5 = arith.constant 0 : i32
    %dma_start3A_6 = tpu.memref_slice %arg3[%dma_start3A_4, %dma_start3A_5] : memref<8192x1024xf32, #tpu.memory_space<hbm>> -> memref<8192x1024xf32, #tpu.memory_space<hbm>>
    tpu.enqueue_indirect_dma source(%dma_start3A_6 : memref<8192x1024xf32, #tpu.memory_space<hbm>>) target(%arg6 : memref<32x1024xf32, #tpu.memory_space<vmem>>) offsets(%dma_start3A_3 : memref<32xi32, #tpu.memory_space<vmem>>) semaphore(%arg9 : memref<!tpu.dma_semaphore, #tpu.memory_space<semaphore_mem>>)
    %dma_wait3A = arith.constant 0 : i32
    %dma_wait3A_7 = tpu.memref_slice %arg5[%dma_wait3A] : memref<256xi32, #tpu.memory_space<vmem>> -> memref<32xi32, #tpu.memory_space<vmem>>
    %dma_wait3A_8 = arith.constant 0 : i32
    %dma_wait3A_9 = arith.constant 0 : i32
    %dma_wait3A_10 = tpu.memref_slice %arg3[%dma_wait3A_8, %dma_wait3A_9] : memref<8192x1024xf32, #tpu.memory_space<hbm>> -> memref<8192x1024xf32, #tpu.memory_space<hbm>>
    tpu.wait_indirect_dma semaphore(%arg9 : memref<!tpu.dma_semaphore, #tpu.memory_space<semaphore_mem>>) src(%dma_wait3A_10 : memref<8192x1024xf32, #tpu.memory_space<hbm>>) dst(%arg6 : memref<32x1024xf32, #tpu.memory_space<vmem>>)
    %add3A_11 = arith.constant 0 : i32
    %add3A_12 = arith.addi %mul3A_2, %add3A_11 : i32
    %dma_start3A_13 = arith.constant 0 : i32
    %dma_start3A_14 = tpu.memref_slice %arg4[%add3A_12, %dma_start3A_13] : memref<8192x1024xf32, #tpu.memory_space<hbm>> -> memref<32x1024xf32, #tpu.memory_space<hbm>>
    %dma_start3A_15 = arith.constant 0 : i32
    %dma_start3A_16 = tpu.memref_slice %arg4[%add3A_12, %dma_start3A_15] : memref<8192x1024xf32, #tpu.memory_space<hbm>> -> memref<32x1024xf32, #tpu.memory_space<hbm>>
    tpu.enqueue_dma source(%arg6 : memref<32x1024xf32, #tpu.memory_space<vmem>>) target(%dma_start3A_16 : memref<32x1024xf32, #tpu.memory_space<hbm>>) target_semaphore(%arg12 : memref<!tpu.dma_semaphore, #tpu.memory_space<semaphore_mem>>)
    %dma_start3A_17 = arith.constant 32 : i32
    %dma_start3A_18 = tpu.memref_slice %arg5[%dma_start3A_17] : memref<256xi32, #tpu.memory_space<vmem>> -> memref<32xi32, #tpu.memory_space<vmem>>
    %dma_start3A_19 = arith.constant 0 : i32
    %dma_start3A_20 = arith.constant 0 : i32
    %dma_start3A_21 = tpu.memref_slice %arg3[%dma_start3A_19, %dma_start3A_20] : memref<8192x1024xf32, #tpu.memory_space<hbm>> -> memref<8192x1024xf32, #tpu.memory_space<hbm>>
    tpu.enqueue_indirect_dma source(%dma_start3A_21 : memref<8192x1024xf32, #tpu.memory_space<hbm>>) target(%arg7 : memref<32x1024xf32, #tpu.memory_space<vmem>>) offsets(%dma_start3A_18 : memref<32xi32, #tpu.memory_space<vmem>>) semaphore(%arg10 : memref<!tpu.dma_semaphore, #tpu.memory_space<semaphore_mem>>)
    %dma_wait3A_22 = arith.constant 32 : i32
    %dma_wait3A_23 = tpu.memref_slice %arg5[%dma_wait3A_22] : memref<256xi32, #tpu.memory_space<vmem>> -> memref<32xi32, #tpu.memory_space<vmem>>
    %dma_wait3A_24 = arith.constant 0 : i32
    %dma_wait3A_25 = arith.constant 0 : i32
    %dma_wait3A_26 = tpu.memref_slice %arg3[%dma_wait3A_24, %dma_wait3A_25] : memref<8192x1024xf32, #tpu.memory_space<hbm>> -> memref<8192x1024xf32, #tpu.memory_space<hbm>>
    tpu.wait_indirect_dma semaphore(%arg10 : memref<!tpu.dma_semaphore, #tpu.memory_space<semaphore_mem>>) src(%dma_wait3A_26 : memref<8192x1024xf32, #tpu.memory_space<hbm>>) dst(%arg7 : memref<32x1024xf32, #tpu.memory_space<vmem>>)
    %add3A_27 = arith.constant 32 : i32
    %add3A_28 = arith.addi %mul3A_2, %add3A_27 : i32
    %dma_start3A_29 = arith.constant 0 : i32
    %dma_start3A_30 = tpu.memref_slice %arg4[%add3A_28, %dma_start3A_29] : memref<8192x1024xf32, #tpu.memory_space<hbm>> -> memref<32x1024xf32, #tpu.memory_space<hbm>>
    %dma_start3A_31 = arith.constant 0 : i32
    %dma_start3A_32 = tpu.memref_slice %arg4[%add3A_28, %dma_start3A_31] : memref<8192x1024xf32, #tpu.memory_space<hbm>> -> memref<32x1024xf32, #tpu.memory_space<hbm>>
    tpu.enqueue_dma source(%arg7 : memref<32x1024xf32, #tpu.memory_space<vmem>>) target(%dma_start3A_32 : memref<32x1024xf32, #tpu.memory_space<hbm>>) target_semaphore(%arg13 : memref<!tpu.dma_semaphore, #tpu.memory_space<semaphore_mem>>)
    %dma_start3A_33 = arith.constant 64 : i32
    %dma_start3A_34 = tpu.memref_slice %arg5[%dma_start3A_33] : memref<256xi32, #tpu.memory_space<vmem>> -> memref<32xi32, #tpu.memory_space<vmem>>
    %dma_start3A_35 = arith.constant 0 : i32
    %dma_start3A_36 = arith.constant 0 : i32
    %dma_start3A_37 = tpu.memref_slice %arg3[%dma_start3A_35, %dma_start3A_36] : memref<8192x1024xf32, #tpu.memory_space<hbm>> -> memref<8192x1024xf32, #tpu.memory_space<hbm>>
    tpu.enqueue_indirect_dma source(%dma_start3A_37 : memref<8192x1024xf32, #tpu.memory_space<hbm>>) target(%arg8 : memref<32x1024xf32, #tpu.memory_space<vmem>>) offsets(%dma_start3A_34 : memref<32xi32, #tpu.memory_space<vmem>>) semaphore(%arg11 : memref<!tpu.dma_semaphore, #tpu.memory_space<semaphore_mem>>)
    %dma_wait3A_38 = arith.constant 64 : i32
    %dma_wait3A_39 = tpu.memref_slice %arg5[%dma_wait3A_38] : memref<256xi32, #tpu.memory_space<vmem>> -> memref<32xi32, #tpu.memory_space<vmem>>
    %dma_wait3A_40 = arith.constant 0 : i32
    %dma_wait3A_41 = arith.constant 0 : i32
    %dma_wait3A_42 = tpu.memref_slice %arg3[%dma_wait3A_40, %dma_wait3A_41] : memref<8192x1024xf32, #tpu.memory_space<hbm>> -> memref<8192x1024xf32, #tpu.memory_space<hbm>>
    tpu.wait_indirect_dma semaphore(%arg11 : memref<!tpu.dma_semaphore, #tpu.memory_space<semaphore_mem>>) src(%dma_wait3A_42 : memref<8192x1024xf32, #tpu.memory_space<hbm>>) dst(%arg8 : memref<32x1024xf32, #tpu.memory_space<vmem>>)
    %add3A_43 = arith.constant 64 : i32
    %add3A_44 = arith.addi %mul3A_2, %add3A_43 : i32
    %dma_start3A_45 = arith.constant 0 : i32
    %dma_start3A_46 = tpu.memref_slice %arg4[%add3A_44, %dma_start3A_45] : memref<8192x1024xf32, #tpu.memory_space<hbm>> -> memref<32x1024xf32, #tpu.memory_space<hbm>>
    %dma_start3A_47 = arith.constant 0 : i32
    %dma_start3A_48 = tpu.memref_slice %arg4[%add3A_44, %dma_start3A_47] : memref<8192x1024xf32, #tpu.memory_space<hbm>> -> memref<32x1024xf32, #tpu.memory_space<hbm>>
    tpu.enqueue_dma source(%arg8 : memref<32x1024xf32, #tpu.memory_space<vmem>>) target(%dma_start3A_48 : memref<32x1024xf32, #tpu.memory_space<hbm>>) target_semaphore(%arg14 : memref<!tpu.dma_semaphore, #tpu.memory_space<semaphore_mem>>)
    %dma_wait3A_49 = arith.constant 0 : i32
    %dma_wait3A_50 = tpu.memref_slice %arg4[%add3A_12, %dma_wait3A_49] : memref<8192x1024xf32, #tpu.memory_space<hbm>> -> memref<32x1024xf32, #tpu.memory_space<hbm>>
    %dma_wait3A_51 = arith.constant 0 : i32
    %dma_wait3A_52 = tpu.memref_slice %arg4[%add3A_12, %dma_wait3A_51] : memref<8192x1024xf32, #tpu.memory_space<hbm>> -> memref<32x1024xf32, #tpu.memory_space<hbm>>
    tpu.wait_dma2 semaphore(%arg12 : memref<!tpu.dma_semaphore, #tpu.memory_space<semaphore_mem>>) src(%arg6 : memref<32x1024xf32, #tpu.memory_space<vmem>>) dst(%dma_wait3A_52 : memref<32x1024xf32, #tpu.memory_space<hbm>>)
    %dma_start3A_53 = arith.constant 96 : i32
    %dma_start3A_54 = tpu.memref_slice %arg5[%dma_start3A_53] : memref<256xi32, #tpu.memory_space<vmem>> -> memref<32xi32, #tpu.memory_space<vmem>>
    %dma_start3A_55 = arith.constant 0 : i32
    %dma_start3A_56 = arith.constant 0 : i32
    %dma_start3A_57 = tpu.memref_slice %arg3[%dma_start3A_55, %dma_start3A_56] : memref<8192x1024xf32, #tpu.memory_space<hbm>> -> memref<8192x1024xf32, #tpu.memory_space<hbm>>
    tpu.enqueue_indirect_dma source(%dma_start3A_57 : memref<8192x1024xf32, #tpu.memory_space<hbm>>) target(%arg6 : memref<32x1024xf32, #tpu.memory_space<vmem>>) offsets(%dma_start3A_54 : memref<32xi32, #tpu.memory_space<vmem>>) semaphore(%arg9 : memref<!tpu.dma_semaphore, #tpu.memory_space<semaphore_mem>>)
    %dma_wait3A_58 = arith.constant 96 : i32
    %dma_wait3A_59 = tpu.memref_slice %arg5[%dma_wait3A_58] : memref<256xi32, #tpu.memory_space<vmem>> -> memref<32xi32, #tpu.memory_space<vmem>>
    %dma_wait3A_60 = arith.constant 0 : i32
    %dma_wait3A_61 = arith.constant 0 : i32
    %dma_wait3A_62 = tpu.memref_slice %arg3[%dma_wait3A_60, %dma_wait3A_61] : memref<8192x1024xf32, #tpu.memory_space<hbm>> -> memref<8192x1024xf32, #tpu.memory_space<hbm>>
    tpu.wait_indirect_dma semaphore(%arg9 : memref<!tpu.dma_semaphore, #tpu.memory_space<semaphore_mem>>) src(%dma_wait3A_62 : memref<8192x1024xf32, #tpu.memory_space<hbm>>) dst(%arg6 : memref<32x1024xf32, #tpu.memory_space<vmem>>)
    %add3A_63 = arith.constant 96 : i32
    %add3A_64 = arith.addi %mul3A_2, %add3A_63 : i32
    %dma_start3A_65 = arith.constant 0 : i32
    %dma_start3A_66 = tpu.memref_slice %arg4[%add3A_64, %dma_start3A_65] : memref<8192x1024xf32, #tpu.memory_space<hbm>> -> memref<32x1024xf32, #tpu.memory_space<hbm>>
    %dma_start3A_67 = arith.constant 0 : i32
    %dma_start3A_68 = tpu.memref_slice %arg4[%add3A_64, %dma_start3A_67] : memref<8192x1024xf32, #tpu.memory_space<hbm>> -> memref<32x1024xf32, #tpu.memory_space<hbm>>
    tpu.enqueue_dma source(%arg6 : memref<32x1024xf32, #tpu.memory_space<vmem>>) target(%dma_start3A_68 : memref<32x1024xf32, #tpu.memory_space<hbm>>) target_semaphore(%arg12 : memref<!tpu.dma_semaphore, #tpu.memory_space<semaphore_mem>>)
    %dma_wait3A_69 = arith.constant 0 : i32
    %dma_wait3A_70 = tpu.memref_slice %arg4[%add3A_28, %dma_wait3A_69] : memref<8192x1024xf32, #tpu.memory_space<hbm>> -> memref<32x1024xf32, #tpu.memory_space<hbm>>
    %dma_wait3A_71 = arith.constant 0 : i32
    %dma_wait3A_72 = tpu.memref_slice %arg4[%add3A_28, %dma_wait3A_71] : memref<8192x1024xf32, #tpu.memory_space<hbm>> -> memref<32x1024xf32, #tpu.memory_space<hbm>>
    tpu.wait_dma2 semaphore(%arg13 : memref<!tpu.dma_semaphore, #tpu.memory_space<semaphore_mem>>) src(%arg7 : memref<32x1024xf32, #tpu.memory_space<vmem>>) dst(%dma_wait3A_72 : memref<32x1024xf32, #tpu.memory_space<hbm>>)
    %dma_start3A_73 = arith.constant 128 : i32
    %dma_start3A_74 = tpu.memref_slice %arg5[%dma_start3A_73] : memref<256xi32, #tpu.memory_space<vmem>> -> memref<32xi32, #tpu.memory_space<vmem>>
    %dma_start3A_75 = arith.constant 0 : i32
    %dma_start3A_76 = arith.constant 0 : i32
    %dma_start3A_77 = tpu.memref_slice %arg3[%dma_start3A_75, %dma_start3A_76] : memref<8192x1024xf32, #tpu.memory_space<hbm>> -> memref<8192x1024xf32, #tpu.memory_space<hbm>>
    tpu.enqueue_indirect_dma source(%dma_start3A_77 : memref<8192x1024xf32, #tpu.memory_space<hbm>>) target(%arg7 : memref<32x1024xf32, #tpu.memory_space<vmem>>) offsets(%dma_start3A_74 : memref<32xi32, #tpu.memory_space<vmem>>) semaphore(%arg10 : memref<!tpu.dma_semaphore, #tpu.memory_space<semaphore_mem>>)
    %dma_wait3A_78 = arith.constant 128 : i32
    %dma_wait3A_79 = tpu.memref_slice %arg5[%dma_wait3A_78] : memref<256xi32, #tpu.memory_space<vmem>> -> memref<32xi32, #tpu.memory_space<vmem>>
    %dma_wait3A_80 = arith.constant 0 : i32
    %dma_wait3A_81 = arith.constant 0 : i32
    %dma_wait3A_82 = tpu.memref_slice %arg3[%dma_wait3A_80, %dma_wait3A_81] : memref<8192x1024xf32, #tpu.memory_space<hbm>> -> memref<8192x1024xf32, #tpu.memory_space<hbm>>
    tpu.wait_indirect_dma semaphore(%arg10 : memref<!tpu.dma_semaphore, #tpu.memory_space<semaphore_mem>>) src(%dma_wait3A_82 : memref<8192x1024xf32, #tpu.memory_space<hbm>>) dst(%arg7 : memref<32x1024xf32, #tpu.memory_space<vmem>>)
    %add3A_83 = arith.constant 128 : i32
    %add3A_84 = arith.addi %mul3A_2, %add3A_83 : i32
    %dma_start3A_85 = arith.constant 0 : i32
    %dma_start3A_86 = tpu.memref_slice %arg4[%add3A_84, %dma_start3A_85] : memref<8192x1024xf32, #tpu.memory_space<hbm>> -> memref<32x1024xf32, #tpu.memory_space<hbm>>
    %dma_start3A_87 = arith.constant 0 : i32
    %dma_start3A_88 = tpu.memref_slice %arg4[%add3A_84, %dma_start3A_87] : memref<8192x1024xf32, #tpu.memory_space<hbm>> -> memref<32x1024xf32, #tpu.memory_space<hbm>>
    tpu.enqueue_dma source(%arg7 : memref<32x1024xf32, #tpu.memory_space<vmem>>) target(%dma_start3A_88 : memref<32x1024xf32, #tpu.memory_space<hbm>>) target_semaphore(%arg13 : memref<!tpu.dma_semaphore, #tpu.memory_space<semaphore_mem>>)
    %dma_wait3A_89 = arith.constant 0 : i32
    %dma_wait3A_90 = tpu.memref_slice %arg4[%add3A_44, %dma_wait3A_89] : memref<8192x1024xf32, #tpu.memory_space<hbm>> -> memref<32x1024xf32, #tpu.memory_space<hbm>>
    %dma_wait3A_91 = arith.constant 0 : i32
    %dma_wait3A_92 = tpu.memref_slice %arg4[%add3A_44, %dma_wait3A_91] : memref<8192x1024xf32, #tpu.memory_space<hbm>> -> memref<32x1024xf32, #tpu.memory_space<hbm>>
    tpu.wait_dma2 semaphore(%arg14 : memref<!tpu.dma_semaphore, #tpu.memory_space<semaphore_mem>>) src(%arg8 : memref<32x1024xf32, #tpu.memory_space<vmem>>) dst(%dma_wait3A_92 : memref<32x1024xf32, #tpu.memory_space<hbm>>)
    %dma_start3A_93 = arith.constant 160 : i32
    %dma_start3A_94 = tpu.memref_slice %arg5[%dma_start3A_93] : memref<256xi32, #tpu.memory_space<vmem>> -> memref<32xi32, #tpu.memory_space<vmem>>
    %dma_start3A_95 = arith.constant 0 : i32
    %dma_start3A_96 = arith.constant 0 : i32
    %dma_start3A_97 = tpu.memref_slice %arg3[%dma_start3A_95, %dma_start3A_96] : memref<8192x1024xf32, #tpu.memory_space<hbm>> -> memref<8192x1024xf32, #tpu.memory_space<hbm>>
    tpu.enqueue_indirect_dma source(%dma_start3A_97 : memref<8192x1024xf32, #tpu.memory_space<hbm>>) target(%arg8 : memref<32x1024xf32, #tpu.memory_space<vmem>>) offsets(%dma_start3A_94 : memref<32xi32, #tpu.memory_space<vmem>>) semaphore(%arg11 : memref<!tpu.dma_semaphore, #tpu.memory_space<semaphore_mem>>)
    %dma_wait3A_98 = arith.constant 160 : i32
    %dma_wait3A_99 = tpu.memref_slice %arg5[%dma_wait3A_98] : memref<256xi32, #tpu.memory_space<vmem>> -> memref<32xi32, #tpu.memory_space<vmem>>
    %dma_wait3A_100 = arith.constant 0 : i32
    %dma_wait3A_101 = arith.constant 0 : i32
    %dma_wait3A_102 = tpu.memref_slice %arg3[%dma_wait3A_100, %dma_wait3A_101] : memref<8192x1024xf32, #tpu.memory_space<hbm>> -> memref<8192x1024xf32, #tpu.memory_space<hbm>>
    tpu.wait_indirect_dma semaphore(%arg11 : memref<!tpu.dma_semaphore, #tpu.memory_space<semaphore_mem>>) src(%dma_wait3A_102 : memref<8192x1024xf32, #tpu.memory_space<hbm>>) dst(%arg8 : memref<32x1024xf32, #tpu.memory_space<vmem>>)
    %add3A_103 = arith.constant 160 : i32
    %add3A_104 = arith.addi %mul3A_2, %add3A_103 : i32
    %dma_start3A_105 = arith.constant 0 : i32
    %dma_start3A_106 = tpu.memref_slice %arg4[%add3A_104, %dma_start3A_105] : memref<8192x1024xf32, #tpu.memory_space<hbm>> -> memref<32x1024xf32, #tpu.memory_space<hbm>>
    %dma_start3A_107 = arith.constant 0 : i32
    %dma_start3A_108 = tpu.memref_slice %arg4[%add3A_104, %dma_start3A_107] : memref<8192x1024xf32, #tpu.memory_space<hbm>> -> memref<32x1024xf32, #tpu.memory_space<hbm>>
    tpu.enqueue_dma source(%arg8 : memref<32x1024xf32, #tpu.memory_space<vmem>>) target(%dma_start3A_108 : memref<32x1024xf32, #tpu.memory_space<hbm>>) target_semaphore(%arg14 : memref<!tpu.dma_semaphore, #tpu.memory_space<semaphore_mem>>)
    %dma_wait3A_109 = arith.constant 0 : i32
    %dma_wait3A_110 = tpu.memref_slice %arg4[%add3A_64, %dma_wait3A_109] : memref<8192x1024xf32, #tpu.memory_space<hbm>> -> memref<32x1024xf32, #tpu.memory_space<hbm>>
    %dma_wait3A_111 = arith.constant 0 : i32
    %dma_wait3A_112 = tpu.memref_slice %arg4[%add3A_64, %dma_wait3A_111] : memref<8192x1024xf32, #tpu.memory_space<hbm>> -> memref<32x1024xf32, #tpu.memory_space<hbm>>
    tpu.wait_dma2 semaphore(%arg12 : memref<!tpu.dma_semaphore, #tpu.memory_space<semaphore_mem>>) src(%arg6 : memref<32x1024xf32, #tpu.memory_space<vmem>>) dst(%dma_wait3A_112 : memref<32x1024xf32, #tpu.memory_space<hbm>>)
    %dma_start3A_113 = arith.constant 192 : i32
    %dma_start3A_114 = tpu.memref_slice %arg5[%dma_start3A_113] : memref<256xi32, #tpu.memory_space<vmem>> -> memref<32xi32, #tpu.memory_space<vmem>>
    %dma_start3A_115 = arith.constant 0 : i32
    %dma_start3A_116 = arith.constant 0 : i32
    %dma_start3A_117 = tpu.memref_slice %arg3[%dma_start3A_115, %dma_start3A_116] : memref<8192x1024xf32, #tpu.memory_space<hbm>> -> memref<8192x1024xf32, #tpu.memory_space<hbm>>
    tpu.enqueue_indirect_dma source(%dma_start3A_117 : memref<8192x1024xf32, #tpu.memory_space<hbm>>) target(%arg6 : memref<32x1024xf32, #tpu.memory_space<vmem>>) offsets(%dma_start3A_114 : memref<32xi32, #tpu.memory_space<vmem>>) semaphore(%arg9 : memref<!tpu.dma_semaphore, #tpu.memory_space<semaphore_mem>>)
    %dma_wait3A_118 = arith.constant 192 : i32
    %dma_wait3A_119 = tpu.memref_slice %arg5[%dma_wait3A_118] : memref<256xi32, #tpu.memory_space<vmem>> -> memref<32xi32, #tpu.memory_space<vmem>>
    %dma_wait3A_120 = arith.constant 0 : i32
    %dma_wait3A_121 = arith.constant 0 : i32
    %dma_wait3A_122 = tpu.memref_slice %arg3[%dma_wait3A_120, %dma_wait3A_121] : memref<8192x1024xf32, #tpu.memory_space<hbm>> -> memref<8192x1024xf32, #tpu.memory_space<hbm>>
    tpu.wait_indirect_dma semaphore(%arg9 : memref<!tpu.dma_semaphore, #tpu.memory_space<semaphore_mem>>) src(%dma_wait3A_122 : memref<8192x1024xf32, #tpu.memory_space<hbm>>) dst(%arg6 : memref<32x1024xf32, #tpu.memory_space<vmem>>)
    %add3A_123 = arith.constant 192 : i32
    %add3A_124 = arith.addi %mul3A_2, %add3A_123 : i32
    %dma_start3A_125 = arith.constant 0 : i32
    %dma_start3A_126 = tpu.memref_slice %arg4[%add3A_124, %dma_start3A_125] : memref<8192x1024xf32, #tpu.memory_space<hbm>> -> memref<32x1024xf32, #tpu.memory_space<hbm>>
    %dma_start3A_127 = arith.constant 0 : i32
    %dma_start3A_128 = tpu.memref_slice %arg4[%add3A_124, %dma_start3A_127] : memref<8192x1024xf32, #tpu.memory_space<hbm>> -> memref<32x1024xf32, #tpu.memory_space<hbm>>
    tpu.enqueue_dma source(%arg6 : memref<32x1024xf32, #tpu.memory_space<vmem>>) target(%dma_start3A_128 : memref<32x1024xf32, #tpu.memory_space<hbm>>) target_semaphore(%arg12 : memref<!tpu.dma_semaphore, #tpu.memory_space<semaphore_mem>>)
    %dma_wait3A_129 = arith.constant 0 : i32
    %dma_wait3A_130 = tpu.memref_slice %arg4[%add3A_84, %dma_wait3A_129] : memref<8192x1024xf32, #tpu.memory_space<hbm>> -> memref<32x1024xf32, #tpu.memory_space<hbm>>
    %dma_wait3A_131 = arith.constant 0 : i32
    %dma_wait3A_132 = tpu.memref_slice %arg4[%add3A_84, %dma_wait3A_131] : memref<8192x1024xf32, #tpu.memory_space<hbm>> -> memref<32x1024xf32, #tpu.memory_space<hbm>>
    tpu.wait_dma2 semaphore(%arg13 : memref<!tpu.dma_semaphore, #tpu.memory_space<semaphore_mem>>) src(%arg7 : memref<32x1024xf32, #tpu.memory_space<vmem>>) dst(%dma_wait3A_132 : memref<32x1024xf32, #tpu.memory_space<hbm>>)
    %dma_start3A_133 = arith.constant 224 : i32
    %dma_start3A_134 = tpu.memref_slice %arg5[%dma_start3A_133] : memref<256xi32, #tpu.memory_space<vmem>> -> memref<32xi32, #tpu.memory_space<vmem>>
    %dma_start3A_135 = arith.constant 0 : i32
    %dma_start3A_136 = arith.constant 0 : i32
    %dma_start3A_137 = tpu.memref_slice %arg3[%dma_start3A_135, %dma_start3A_136] : memref<8192x1024xf32, #tpu.memory_space<hbm>> -> memref<8192x1024xf32, #tpu.memory_space<hbm>>
    tpu.enqueue_indirect_dma source(%dma_start3A_137 : memref<8192x1024xf32, #tpu.memory_space<hbm>>) target(%arg7 : memref<32x1024xf32, #tpu.memory_space<vmem>>) offsets(%dma_start3A_134 : memref<32xi32, #tpu.memory_space<vmem>>) semaphore(%arg10 : memref<!tpu.dma_semaphore, #tpu.memory_space<semaphore_mem>>)
    %dma_wait3A_138 = arith.constant 224 : i32
    %dma_wait3A_139 = tpu.memref_slice %arg5[%dma_wait3A_138] : memref<256xi32, #tpu.memory_space<vmem>> -> memref<32xi32, #tpu.memory_space<vmem>>
    %dma_wait3A_140 = arith.constant 0 : i32
    %dma_wait3A_141 = arith.constant 0 : i32
    %dma_wait3A_142 = tpu.memref_slice %arg3[%dma_wait3A_140, %dma_wait3A_141] : memref<8192x1024xf32, #tpu.memory_space<hbm>> -> memref<8192x1024xf32, #tpu.memory_space<hbm>>
    tpu.wait_indirect_dma semaphore(%arg10 : memref<!tpu.dma_semaphore, #tpu.memory_space<semaphore_mem>>) src(%dma_wait3A_142 : memref<8192x1024xf32, #tpu.memory_space<hbm>>) dst(%arg7 : memref<32x1024xf32, #tpu.memory_space<vmem>>)
    %add3A_143 = arith.constant 224 : i32
    %add3A_144 = arith.addi %mul3A_2, %add3A_143 : i32
    %dma_start3A_145 = arith.constant 0 : i32
    %dma_start3A_146 = tpu.memref_slice %arg4[%add3A_144, %dma_start3A_145] : memref<8192x1024xf32, #tpu.memory_space<hbm>> -> memref<32x1024xf32, #tpu.memory_space<hbm>>
    %dma_start3A_147 = arith.constant 0 : i32
    %dma_start3A_148 = tpu.memref_slice %arg4[%add3A_144, %dma_start3A_147] : memref<8192x1024xf32, #tpu.memory_space<hbm>> -> memref<32x1024xf32, #tpu.memory_space<hbm>>
    tpu.enqueue_dma source(%arg7 : memref<32x1024xf32, #tpu.memory_space<vmem>>) target(%dma_start3A_148 : memref<32x1024xf32, #tpu.memory_space<hbm>>) target_semaphore(%arg13 : memref<!tpu.dma_semaphore, #tpu.memory_space<semaphore_mem>>)
    %dma_wait3A_149 = arith.constant 0 : i32
    %dma_wait3A_150 = tpu.memref_slice %arg4[%add3A_124, %dma_wait3A_149] : memref<8192x1024xf32, #tpu.memory_space<hbm>> -> memref<32x1024xf32, #tpu.memory_space<hbm>>
    %dma_wait3A_151 = arith.constant 0 : i32
    %dma_wait3A_152 = tpu.memref_slice %arg4[%add3A_124, %dma_wait3A_151] : memref<8192x1024xf32, #tpu.memory_space<hbm>> -> memref<32x1024xf32, #tpu.memory_space<hbm>>
    tpu.wait_dma2 semaphore(%arg12 : memref<!tpu.dma_semaphore, #tpu.memory_space<semaphore_mem>>) src(%arg6 : memref<32x1024xf32, #tpu.memory_space<vmem>>) dst(%dma_wait3A_152 : memref<32x1024xf32, #tpu.memory_space<hbm>>)
    %dma_wait3A_153 = arith.constant 0 : i32
    %dma_wait3A_154 = tpu.memref_slice %arg4[%add3A_144, %dma_wait3A_153] : memref<8192x1024xf32, #tpu.memory_space<hbm>> -> memref<32x1024xf32, #tpu.memory_space<hbm>>
    %dma_wait3A_155 = arith.constant 0 : i32
    %dma_wait3A_156 = tpu.memref_slice %arg4[%add3A_144, %dma_wait3A_155] : memref<8192x1024xf32, #tpu.memory_space<hbm>> -> memref<32x1024xf32, #tpu.memory_space<hbm>>
    tpu.wait_dma2 semaphore(%arg13 : memref<!tpu.dma_semaphore, #tpu.memory_space<semaphore_mem>>) src(%arg7 : memref<32x1024xf32, #tpu.memory_space<vmem>>) dst(%dma_wait3A_156 : memref<32x1024xf32, #tpu.memory_space<hbm>>)
    return
  }
}

</mosaic_0001>

<sc_bundles>
// kernel: kernel.3.cloned.1.call-start
scs
__scs_entry_jumppad:
0x0: {  	(pc) =	sbr.rel $0x88, $3  }
0x1: {  	(tag) =	ssettag $0x0;
	lr =	simm.s32 $0x1  }
0x2: {  	[smem:$0x3F9F] =	sst lr;
	_ =	strace $0xD0000000  }
0x3: {  	_ = 	snop  }
0x4: {  	_ = 	snop  }
0x5: {  	_ = 	snop  }
0x6: {  	_ = 	snop  }
0x7: {  	_ = 	snop  }
__scs_overlays_trampoline_lowered:
0x8: {  	[smem:$0x3FAE] =	sst s0  }
0x9: {  	[smem:$0x3FAF] =	sst s1  }
0xa: {  	[smem:$0x3FB0] =	sst s2  }
0xb: {  	[smem:$0x3FB1] =	sst s3  }
0xc: {  	[smem:$0x3FB2] =	sst s4  }
0xd: {  	[smem:$0x3FB3] =	sst s5  }
0xe: {  	[smem:$0x3FB4] =	sst s6  }
0xf: {  	[smem:$0x3FB5] =	sst s7  }
0x10: {  	[smem:$0x3FB6] =	sst s8  }
0x11: {  	[smem:$0x3FB7] =	sst s9;
	s0 =	simm.s32 @!p0 $0x0  }
0x12: {  	s1 =	sld [smem:$0x3F9D];
	s0 =	simm.s32 @p0 $0x1  }
0x13: {  	[smem:$0x3FB8] =	sst s0;
	s0 =	simm.s32 @!p1 $0x0  }
0x14: {  	s2 =	sld [smem:$0x3F9C];
	s0 =	simm.s32 @p1 $0x1  }
0x15: {  	[smem:$0x3FB9] =	sst s0;
	s0 =	simm.s32 @!p2 $0x0  }
0x16: {  	s3 =	sld [smem:$0x3FDB];
	s0 =	simm.s32 @p2 $0x1  }
0x17: {  	s4 =	simm.s32 $0x1BF5;
	[smem:$0x3FBB] =	sst s0  }
0x18: {  	s0 =	sld [smem:$0x3F9E];
	_ =	swait.ge [sflag:s4], $0x0  }
0x19: {  	s7 =	sld [smem:$0x3F9F]  }
0x1a: {  	s8 =	sadd.s32 $0xFFFFE003, lr  }
0x1b: {  	s9 =	sadd.s32 $0xFFFFFEF7, lr;
	s5 =	simm.s32 $0xFFFFFFFF;
	p2 =	slt.u32 s8, $0xFFFFF086  }
0x1c: {  	p1 =	slt.u32 s9, $0xF7A;
	s5 =	simm.s32 @!p2 $0x0  }
0x1d: {  	s5 =	simm.s32 @p1 $0x1;
	p0 =	seq.s32 s7, s2  }
0x1e: {  	s7 =	smul.u32 @!p0 $0xF7A, s2;
	p2 =	seq.s32 @!p0 s5, $0x0  }
0x1f: {  	s9 =	smul.u32 $0xF7A, s1;
	s8 =	simm.s32 @!p0 $0x1BF5;
	p2 =	por !p2, p0  }
0x20: {  	[sflag:s8] =	ssyncset.s32 @!p0 $0xFFFFF086;
	s6 =	sadd.s32 @!p0 s3, s7;
	s7 =	simm.s32 @!p0 $0x108  }
0x21: {  	s3 =	sadd.s32 s3, s9;
	s6 =	sadd.s32 @!p0 $0x88, s6;
	s7 =	simm.s32 @p2 $0x1082  }
0x22: {  	[simem:s7], [sflag:s8] =	dma.local @!p0 [hbm:s6], $0xF7A  }
0x23: {  	s9 =	sor.u32 $0xD0000000, s2;
	s6 =	simm.s32 $0x108;
	_ =	swait.ge @!p0 [sflag:s8], $0x0  }
0x24: {  	s3 =	sadd.s32 $0x88, s3;
	s6 =	simm.s32 @!p1 $0x1082;
	[sflag:s4] =	ssyncset.s32 $0xFFFFF086  }
0x25: {  	[simem:s6], [sflag:s4] =	dma.local [hbm:s3], $0xF7A  }
0x26: {  	[smem:$0x3F9F] =	sst s1;
	(tag) =	ssettag s2;
	_ =	strace s9  }
0x27: {  	s1 =	sld [smem:$0x3FAF]  }
0x28: {  	s2 =	sld [smem:$0x3FB0]  }
0x29: {  	s4 =	sld [smem:$0x3FB2]  }
0x2a: {  	p0 =	seq.s32 s5, $0x0;
	s5 =	sld [smem:$0x3FB3]  }
0x2b: {  	s6 =	sld [smem:$0x3FB4]  }
0x2c: {  	s7 =	sld [smem:$0x3FB5]  }
0x2d: {  	s3 =	simm.s32 $0x108;
	s8 =	sld [smem:$0x3FB6]  }
0x2e: {  	s3 =	simm.s32 @!p0 $0x1082;
	s9 =	sld [smem:$0x3FB7]  }
0x2f: {  	lr =	sadd.s32 s0, s3;
	s0 =	sld [smem:$0x3FAE]  }
0x30: {  	s3 =	sld [smem:$0x3FB1]  }
0x31: {  	[smem:$0x3FBA] =	sst s10  }
0x32: {  	s10 =	sld [smem:$0x3FB8];
	_ =	sdelay $0x3  }
0x33: {  	p0 =	seq.s32 s10, $0x1;
	s10 =	sld [smem:$0x3FBA];
	_ =	sdelay $0x3  }
0x34: {  	[smem:$0x3FBA] =	sst s10  }
0x35: {  	s10 =	sld [smem:$0x3FB9];
	_ =	sdelay $0x3  }
0x36: {  	p1 =	seq.s32 s10, $0x1;
	s10 =	sld [smem:$0x3FBA];
	_ =	sdelay $0x3  }
0x37: {  	[smem:$0x3FBA] =	sst s10  }
0x38: {  	s10 =	sld [smem:$0x3FBB]  }
0x39: {  	_ = 	snop;
	(pc) =	sbr.ind lr, $3  }
0x3a: {  	_ = 	snop  }
0x3b: {  	_ = 	snop  }
0x3c: {  	p2 =	seq.s32 s10, $0x1;
	s10 =	sld [smem:$0x3FBA]  }
0x3d: {  	_ =	shalt  }
0x3e: {  	_ =	shalt  }
0x3f: {  	_ =	shalt  }
0x40: {  	_ =	shalt  }
0x41: {  	_ =	shalt  }
0x42: {  	_ =	shalt  }
0x43: {  	_ =	shalt  }
0x44: {  	_ =	shalt  }
0x45: {  	_ =	shalt  }
0x46: {  	_ =	shalt  }
0x47: {  	_ =	shalt  }
0x48: {  	_ =	shalt  }
0x49: {  	_ =	shalt  }
0x4a: {  	_ =	shalt  }
0x4b: {  	_ =	shalt  }
0x4c: {  	_ =	shalt  }
0x4d: {  	_ =	shalt  }
0x4e: {  	_ =	shalt  }
0x4f: {  	_ =	shalt  }
0x50: {  	_ =	shalt  }
0x51: {  	_ =	shalt  }
0x52: {  	_ =	shalt  }
0x53: {  	_ =	shalt  }
0x54: {  	_ =	shalt  }
0x55: {  	_ =	shalt  }
0x56: {  	_ =	shalt  }
0x57: {  	_ =	shalt  }
0x58: {  	_ =	shalt  }
0x59: {  	_ =	shalt  }
0x5a: {  	_ =	shalt  }
0x5b: {  	_ =	shalt  }
0x5c: {  	_ =	shalt  }
0x5d: {  	_ =	shalt  }
0x5e: {  	_ =	shalt  }
0x5f: {  	_ =	shalt  }
0x60: {  	_ =	shalt  }
0x61: {  	_ =	shalt  }
0x62: {  	_ =	shalt  }
0x63: {  	_ =	shalt  }
0x64: {  	_ =	shalt  }
0x65: {  	_ =	shalt  }
0x66: {  	_ =	shalt  }
0x67: {  	_ =	shalt  }
0x68: {  	_ =	shalt  }
0x69: {  	_ =	shalt  }
0x6a: {  	_ =	shalt  }
0x6b: {  	_ =	shalt  }
0x6c: {  	_ =	shalt  }
0x6d: {  	_ =	shalt  }
0x6e: {  	_ =	shalt  }
0x6f: {  	_ =	shalt  }
0x70: {  	_ =	shalt  }
0x71: {  	_ =	shalt  }
0x72: {  	_ =	shalt  }
0x73: {  	_ =	shalt  }
0x74: {  	_ =	shalt  }
0x75: {  	_ =	shalt  }
0x76: {  	_ =	shalt  }
0x77: {  	_ =	shalt  }
0x78: {  	_ =	shalt  }
0x79: {  	_ =	shalt  }
0x7a: {  	_ =	shalt  }
0x7b: {  	_ =	shalt  }
0x7c: {  	_ =	shalt  }
0x7d: {  	_ =	shalt  }
0x7e: {  	_ =	shalt  }
0x7f: {  	_ =	shalt  }
0x80: {  	_ =	shalt  }
0x81: {  	_ =	shalt  }
0x82: {  	_ =	shalt  }
0x83: {  	_ =	shalt  }
0x84: {  	_ =	shalt  }
0x85: {  	_ =	shalt  }
0x86: {  	_ =	shalt  }
0x87: {  	_ =	shalt  }
.Lfunc_end0:
.L_simem_size_0:
called_computation_lowered:
.L_overlay_start_0:
0x88: {  	s2 =	sld [smem:$0x3FD9]  }
0x89: {  	s3 =	sld [smem:$0x3FFE];
	_ =	sdelay $0x1  }
0x8a: {  	s1 =	srdreg.scid  }
0x8b: {  	s0 =	sand.u32 $0x1, s1  }
0x8c: {  	s18 =	sshll.u32 s0, $0xA;
	s2 =	sadd.s32 s3, s2  }
0x8d: {  	s2 =	sadd.s32 s2, s18  }
0x8e: {  	[smem:$0x3FC6] =	sst s2  }
0x8f: {  	_ = 	snop  }
0x90: {  	s2 =	sld [smem:$0x3FC9]  }
0x91: {  	s19 =	sld [smem:$0x3FC8]  }
0x92: {  	s4 =	sld [smem:$0x3FD0];
	(tm) =	ssettm $0x1  }
0x93: {  	s5 =	sld [smem:$0x3FFB];
	_ =	sdelay $0x3  }
0x94: {  	_ =	strace s5  }
0x95: {  	s5 =	sld [smem:$0x3FFC];
	_ =	sdelay $0x3  }
0x96: {  	_ =	strace s5  }
0x97: {  	s5 =	sld [smem:$0x3FFD];
	_ =	sdelay $0x3  }
0x98: {  	_ =	strace s5  }
0x99: {  	_ =	strace $0x8FFFFFFF  }
0x9a: {  	s20 =	sld [smem:$0x3FDB];
	_ =	sdelay $0x1  }
0x9b: {  	s6 =	simm.s32 $_scs_section_size  }
0x9c: {  	s7 =	simm.s32 $_size__tile_overlayer_lowered;
	s8 =	simm.s32 $_tile_overlayer_lowered  }
0x9d: {  	s23 =	simm.s32 $0x1BFF;
	s22 =	sshll.u32 s8, $0x1;
	s5 =	sadd.s32 s6, s20  }
0x9e: {  	s9 =	simm.s32 $0x0;
	s21 =	sshll.u32 s7, $0x1;
	s7 =	sadd.s32 s22, s5  }
0x9f: {  	[timem:s9], [sflag:s23] =	dma.local [hbm:s7], s21  }
0xa0: {  	_ =	swait.ge [sflag:s23], s21  }
0xa1: {  	s6 =	ssub.s32 $0x0, s21;
	[sflag:s23] =	ssyncset.done $0x0  }
0xa2: {  	[sflag:s23] =	ssyncadd.s32 s6;
	_ =	sdelay $0x1  }
0xa3: {  	s24 =	simm.s32 $0x1B8B  }
0xa4: {  	_ =	swait.ge [sflag:s24], $0x1  }
0xa5: {  	[sflag:s24] =	ssyncset.done $0x0  }
0xa6: {  	s25 =	simm.s32 $0x1B8E;
	[sflag:s24] =	ssyncadd.s32 $0xFFFFFFFF  }
0xa7: {  	s26 =	simm.s32 $execute0_lowered;
	[smem:$0x3FD2] =	sst s25  }
0xa8: {  	s6 =	sshll.u32 s26, $0x1;
	_ =	strace $0x80000046;
	[dreg:$0x1] =	wrdreg $0xFFFFFFFF  }
0xa9: {  	s28 =	simm.s32 $_size_execute0_lowered;
	s5 =	sadd.s32 s5, s6;
	[dreg:$0x0] =	wrdreg $0x0  }
0xaa: {  	s6 =	sshll.u32 s28, $0x1;
	[dreg:$0x2] =	wrdreg s5  }
0xab: {  	[dreg:$0x3] =	wrdreg s6  }
0xac: {  	[dreg:$0x4] =	wrdreg $0xC0  }
0xad: {  	_ =	task [dreg:s9], $0x5FFFF  }
0xae: {  	[dreg:$0x1] =	wrdreg $0xFFFFFFFF  }
0xaf: {  	[dreg:$0x0] =	wrdreg $0x60  }
0xb0: {  	[dreg:$0x2] =	wrdreg s2  }
0xb1: {  	[dreg:$0x3] =	wrdreg s19  }
0xb2: {  	[dreg:$0x4] =	wrdreg s4  }
0xb3: {  	[dreg:$0x5] =	wrdreg $0x9  }
0xb4: {  	_ =	task.clear_ibuf [dreg:s9], $0x6FFFF;
	_ =	strace $0x90000046  }
0xb5: {  	s29 =	simm.s32 $0x9;
	_ =	strace $0x80000048  }
0xb6: {  	_ =	swait.ge [sflag:s29], $0x1  }
0xb7: {  	[sflag:s29] =	ssyncadd.s32 $0xFFFFFFFF  }
0xb8: {  	_ =	strace $0x90000048  }
0xb9: {  	_ =	sfence  }
0xba: {  	s30 =	sld [smem:$0x0];
	_ =	sdelay $0x2  }
0xbb: {  	s31 =	sshll.u32 s1, $0xD;
	s1 =	sshrl.u32 s1, $0x2  }
0xbc: {  	s3 =	sand.u32 $0x4000, s31;
	s1 =	sadd.s32 s1, s30  }
0xbd: {  	s0 =	sor.u32 s3, s0;
	s1 =	sshll.u32 s1, $0x11  }
0xbe: {  	s0 =	sor.u32 s1, s0  }
0xbf: {  	s0 =	sadd.s32 $0x8F2B, s0  }
0xc0: {  	[sflag:s0] =	ssyncadd.remote.s32 $0x1  }
0xc1: {  	_ =	sfence.sel $0xFFFF  }
0xc2: {  	[dreg:$0x0] =	wrdreg $0xFFFFFFFF;
	(pc) =	sbr.abs _section_cstart, $3  }
0xc3: {  	[dreg:$0x1] =	wrdreg $0xFFFFFFFF  }
0xc4: {  	_ =	task.clear_ibuf [dreg:s9], $0x2FFFF;
	_ =	strace $0x9FFFFFFF  }
0xc5: {  	(tm) =	ssettm $0x7FFFFFFF  }
tec
execute0_lowered:
.L_overlay_start_1:
0x0: {  	(tag) =	ssettag $0x1  }
0x1: {  	s0 =	rddreg [dreg:$0x0];
	s1 =	srdreg.scid  }
0x2: {  	s2 =	rddreg [dreg:$0x1];
	s3 =	stileid.u32  }
0x3: {  	s4 =	rddreg [dreg:$0x2];
	s30 =	simm.s32 $0x3;
	s28 =	simm.s32 $0x100  }
0x4: {  	s31 =	simm.s32 $0x1900;
	s10 =	simm.s32 $0x10100;
	s9 =	simm.s32 $0x12900  }
0x5: {  	s11 =	simm.s32 $0x13100;
	s12 =	simm.s32 $0x13900;
	s13 =	simm.s32 $0x14100  }
0x6: {  	s14 =	simm.s32 $0x14900;
	s15 =	simm.s32 $0x15100;
	s1 =	sand.u32 $0x1, s1  }
0x7: {  	s16 =	simm.s32 $0x15900;
	s5 =	sshll.u32 s3, $0x9;
	s6 =	sshll.u32 s1, $0x8  }
0x8: {  	s17 =	simm.s32 $0x16100;
	s18 =	simm.s32 $0x16900;
	s5 =	sor.u32 s6, s5  }
0x9: {  	s29 =	simm.s32 $0x17900;
	s3 =	simm.s32 $0x0;
	s6 =	sshrl.u32 s5, $0x3  }
0xa: {  	[smem:$0x7FF] =	sst s3;
	s5 =	sshll.u32 s5, $0x7;
	s0 =	sadd.s32 s0, s6  }
0xb: {  	_ =	strace $0x80000047;
	s8 =	sadd.s32 s4, s5;
	[dreg:$0x4] =	wrdreg s0  }
0xc: {  	s7 =	sadd.s32 $0x300, s2;
	s19 =	sadd.s32 $0x1000, s8;
	[dreg:$0xc] =	wrdreg s8  }
0xd: {  	s1 =	ssub.s32 $0x2, s1;
	s20 =	sadd.s32 $0x2000, s8;
	[dreg:$0x5] =	wrdreg s19  }
0xe: {  	s21 =	sshrl.u32 s1, $0x1;
	s22 =	sadd.s32 $0x3000, s8;
	[dreg:$0x6] =	wrdreg s20  }
0xf: {  	s1 =	ssub.s32 s1, s21;
	s23 =	sadd.s32 $0x4000, s8;
	[dreg:$0x7] =	wrdreg s22  }
0x10: {  	s21 =	simm.s32 $0x17100;
	s24 =	sadd.s32 $0x5000, s8;
	[dreg:$0x8] =	wrdreg s23  }
0x11: {  	s5 =	sadd.s32 $0x100, s2;
	s25 =	sadd.s32 $0x6000, s8;
	[dreg:$0x9] =	wrdreg s24  }
0x12: {  	s6 =	sadd.s32 $0x200, s2;
	s26 =	sadd.s32 $0x7000, s8;
	[dreg:$0xa] =	wrdreg s25  }
0x13: {  	v2 =	vlaneseq.u32;
	s4 =	simm.s32 $0x12100;
	s8 =	smax.u32 s1, $0x1;
	[dreg:$0xb] =	wrdreg s26  }
0x14: {  	vm0 =	vmmov $0xffff;
	v1 =	vshrl.u32 v2, $0x3;
	s26 =	simm.s32 $0x1;
	s19 =	simm.s32 $0x2;
	s22 =	simm.s32 $0x4  }
0x15: {  	v0 =	vand.u32 $0x7, v2;
	v2 =	vor.u32 $0x8, v2;
	v1 =	vmul.u32 $0x8, v1;
	s23 =	simm.s32 $0x5;
	s20 =	simm.s32 $0x10900;
	s24 =	simm.s32 $0x11100  }
.LBB2_1:
0x16: {  	s25 =	rddreg [dreg:$0x4];
	s1 =	simm.s32 $0x7  }
0x17: {  	[tilespmem:s3], [sflag:$0x7] =	stream.linear.gather [hbm4b:s25+s3], $0x100, $0x38;
	[tilespmem:$0x18100] =	vst v63  }
0x18: {  	_ =	swait.ge [sflag:s1], $0x100  }
0x19: {  	[sflag:s1] =	ssyncset.done $0x0  }
0x1a: {  	[sflag:s1] =	ssyncadd.s32 $0xFFFFFF00  }
0x1b: {  	v3 =	vld [tilespmem:$0x0];
	_ =	sdelay $0x4  }
0x1c: {  	v4 =	vshll.u32 v3, $0x3  }
0x1d: {  	v3 =	vand.u32 $0x7, v3;
	v4 =	vand.u32 $0xFFFFFFC0, v4  }
0x1e: {  	v3 =	vor.u32 v3, v4  }
0x1f: {  	v4 =	vperm.xlane v3, v0;
	_ =	sdelay $0x1  }
0x20: {  	v4 =	vadd.s32 v1, v4;
	_ =	sdelay $0x4  }
0x21: {  	[tilespmem:s28], [sflag:$0x1] =	stream.indirect_vreg.gather [hbm4b:s2+s3], $0x80, v4, vm0, $0xb8;
	[tilespmem:$0x18100] =	vst v63  }
0x22: {  	s0 =	simm.s32 $0x900;
	v3 =	vperm.xlane v3, v2  }
0x23: {  	[tilespmem:s0], [sflag:$0x1] =	stream.indirect_vreg.gather [hbm4b:s5+s3], $0x80, v4, vm0, $0xb8;
	[tilespmem:$0x18100] =	vst v63  }
0x24: {  	s25 =	simm.s32 $0x1100;
	v3 =	vadd.s32 v1, v3  }
0x25: {  	[tilespmem:s25], [sflag:$0x1] =	stream.indirect_vreg.gather [hbm4b:s6+s3], $0x80, v4, vm0, $0xb8;
	[tilespmem:$0x18100] =	vst v63  }
0x26: {  	_ = 	snop  }
0x27: {  	[tilespmem:s31], [sflag:$0x1] =	stream.indirect_vreg.gather [hbm4b:s7+s3], $0x80, v4, vm0, $0xb8;
	[tilespmem:$0x18100] =	vst v63  }
0x28: {  	s1 =	simm.s32 $0x2100  }
0x29: {  	[tilespmem:s1], [sflag:$0x1] =	stream.indirect_vreg.gather [hbm4b:s2+s3], $0x80, v3, vm0, $0xb8;
	[tilespmem:$0x18100] =	vst v63  }
0x2a: {  	s25 =	simm.s32 $0x2900  }
0x2b: {  	[tilespmem:s25], [sflag:$0x1] =	stream.indirect_vreg.gather [hbm4b:s5+s3], $0x80, v3, vm0, $0xb8;
	[tilespmem:$0x18100] =	vst v63  }
0x2c: {  	s1 =	simm.s32 $0x3100  }
0x2d: {  	[tilespmem:s1], [sflag:$0x1] =	stream.indirect_vreg.gather [hbm4b:s6+s3], $0x80, v3, vm0, $0xb8;
	[tilespmem:$0x18100] =	vst v63  }
0x2e: {  	s25 =	simm.s32 $0x3900  }
0x2f: {  	[tilespmem:s25], [sflag:$0x1] =	stream.indirect_vreg.gather [hbm4b:s7+s3], $0x80, v3, vm0, $0xb8;
	[tilespmem:$0x18100] =	vst v63  }
0x30: {  	v3 =	vld [tilespmem:$0x10];
	_ =	sdelay $0x4  }
0x31: {  	v49 =	vshll.u32 v3, $0x3  }
0x32: {  	v3 =	vand.u32 $0x7, v3;
	v4 =	vand.u32 $0xFFFFFFC0, v49  }
0x33: {  	v3 =	vor.u32 v3, v4  }
0x34: {  	v4 =	vperm.xlane v3, v0;
	_ =	sdelay $0x1  }
0x35: {  	v4 =	vadd.s32 v1, v4;
	_ =	sdelay $0x3  }
0x36: {  	s1 =	simm.s32 $0x4100  }
0x37: {  	[tilespmem:s1], [sflag:$0x1] =	stream.indirect_vreg.gather [hbm4b:s2+s3], $0x80, v4, vm0, $0xb8;
	[tilespmem:$0x18100] =	vst v63  }
0x38: {  	s25 =	simm.s32 $0x4900;
	v3 =	vperm.xlane v3, v2  }
0x39: {  	[tilespmem:s25], [sflag:$0x1] =	stream.indirect_vreg.gather [hbm4b:s5+s3], $0x80, v4, vm0, $0xb8;
	[tilespmem:$0x18100] =	vst v63  }
0x3a: {  	v3 =	vadd.s32 v1, v3;
	s1 =	simm.s32 $0x5100  }
0x3b: {  	[tilespmem:s1], [sflag:$0x1] =	stream.indirect_vreg.gather [hbm4b:s6+s3], $0x80, v4, vm0, $0xb8;
	[tilespmem:$0x18100] =	vst v63  }
0x3c: {  	s25 =	simm.s32 $0x5900  }
0x3d: {  	[tilespmem:s25], [sflag:$0x1] =	stream.indirect_vreg.gather [hbm4b:s7+s3], $0x80, v4, vm0, $0xb8;
	[tilespmem:$0x18100] =	vst v63  }
0x3e: {  	s1 =	simm.s32 $0x6100  }
0x3f: {  	[tilespmem:s1], [sflag:$0x1] =	stream.indirect_vreg.gather [hbm4b:s2+s3], $0x80, v3, vm0, $0xb8;
	[tilespmem:$0x18100] =	vst v63  }
0x40: {  	s25 =	simm.s32 $0x6900  }
0x41: {  	[tilespmem:s25], [sflag:$0x1] =	stream.indirect_vreg.gather [hbm4b:s5+s3], $0x80, v3, vm0, $0xb8;
	[tilespmem:$0x18100] =	vst v63  }
0x42: {  	s1 =	simm.s32 $0x7100  }
0x43: {  	[tilespmem:s1], [sflag:$0x1] =	stream.indirect_vreg.gather [hbm4b:s6+s3], $0x80, v3, vm0, $0xb8;
	[tilespmem:$0x18100] =	vst v63  }
0x44: {  	s25 =	simm.s32 $0x7900  }
0x45: {  	[tilespmem:s25], [sflag:$0x1] =	stream.indirect_vreg.gather [hbm4b:s7+s3], $0x80, v3, vm0, $0xb8;
	[tilespmem:$0x18100] =	vst v63  }
0x46: {  	_ =	swait.ge [sflag:s26], $0x8000  }
0x47: {  	[sflag:s26] =	ssyncset.done $0x0  }
0x48: {  	s1 =	rddreg [dreg:$0xc];
	[sflag:s26] =	ssyncadd.s32 $0xFFFF8000  }
0x49: {  	[hbm4b:s1+s3] =	stream.linear.scatter [tilespmem:s28], [sflag:$0x4], $0x8000, $0x38;
	[tilespmem:$0x18100] =	vst v63  }
0x4a: {  	v3 =	vld [tilespmem:$0x20];
	_ =	sdelay $0x4  }
0x4b: {  	v50 =	vshll.u32 v3, $0x3  }
0x4c: {  	v3 =	vand.u32 $0x7, v3;
	v4 =	vand.u32 $0xFFFFFFC0, v50  }
0x4d: {  	v3 =	vor.u32 v3, v4  }
0x4e: {  	v4 =	vperm.xlane v3, v0;
	_ =	sdelay $0x1  }
0x4f: {  	v4 =	vadd.s32 v1, v4;
	_ =	sdelay $0x3  }
0x50: {  	s0 =	simm.s32 $0x8100  }
0x51: {  	[tilespmem:s0], [sflag:$0x2] =	stream.indirect_vreg.gather [hbm4b:s2+s3], $0x80, v4, vm0, $0xb8;
	[tilespmem:$0x18100] =	vst v63  }
0x52: {  	s1 =	simm.s32 $0x8900;
	v3 =	vperm.xlane v3, v2  }
0x53: {  	[tilespmem:s1], [sflag:$0x2] =	stream.indirect_vreg.gather [hbm4b:s5+s3], $0x80, v4, vm0, $0xb8;
	[tilespmem:$0x18100] =	vst v63  }
0x54: {  	s25 =	simm.s32 $0x9100;
	v3 =	vadd.s32 v1, v3  }
0x55: {  	[tilespmem:s25], [sflag:$0x2] =	stream.indirect_vreg.gather [hbm4b:s6+s3], $0x80, v4, vm0, $0xb8;
	[tilespmem:$0x18100] =	vst v63  }
0x56: {  	s25 =	simm.s32 $0x9900  }
0x57: {  	[tilespmem:s25], [sflag:$0x2] =	stream.indirect_vreg.gather [hbm4b:s7+s3], $0x80, v4, vm0, $0xb8;
	[tilespmem:$0x18100] =	vst v63  }
0x58: {  	s25 =	simm.s32 $0xA100  }
0x59: {  	[tilespmem:s25], [sflag:$0x2] =	stream.indirect_vreg.gather [hbm4b:s2+s3], $0x80, v3, vm0, $0xb8;
	[tilespmem:$0x18100] =	vst v63  }
0x5a: {  	s25 =	simm.s32 $0xA900  }
0x5b: {  	[tilespmem:s25], [sflag:$0x2] =	stream.indirect_vreg.gather [hbm4b:s5+s3], $0x80, v3, vm0, $0xb8;
	[tilespmem:$0x18100] =	vst v63  }
0x5c: {  	s25 =	simm.s32 $0xB100  }
0x5d: {  	[tilespmem:s25], [sflag:$0x2] =	stream.indirect_vreg.gather [hbm4b:s6+s3], $0x80, v3, vm0, $0xb8;
	[tilespmem:$0x18100] =	vst v63  }
0x5e: {  	s25 =	simm.s32 $0xB900  }
0x5f: {  	[tilespmem:s25], [sflag:$0x2] =	stream.indirect_vreg.gather [hbm4b:s7+s3], $0x80, v3, vm0, $0xb8;
	[tilespmem:$0x18100] =	vst v63  }
0x60: {  	v3 =	vld [tilespmem:$0x30];
	_ =	sdelay $0x4  }
0x61: {  	v51 =	vshll.u32 v3, $0x3  }
0x62: {  	v3 =	vand.u32 $0x7, v3;
	v4 =	vand.u32 $0xFFFFFFC0, v51  }
0x63: {  	v3 =	vor.u32 v3, v4  }
0x64: {  	v4 =	vperm.xlane v3, v0;
	_ =	sdelay $0x1  }
0x65: {  	v4 =	vadd.s32 v1, v4;
	_ =	sdelay $0x3  }
0x66: {  	s25 =	simm.s32 $0xC100  }
0x67: {  	[tilespmem:s25], [sflag:$0x2] =	stream.indirect_vreg.gather [hbm4b:s2+s3], $0x80, v4, vm0, $0xb8;
	[tilespmem:$0x18100] =	vst v63  }
0x68: {  	v3 =	vperm.xlane v3, v2;
	s25 =	simm.s32 $0xC900  }
0x69: {  	[tilespmem:s25], [sflag:$0x2] =	stream.indirect_vreg.gather [hbm4b:s5+s3], $0x80, v4, vm0, $0xb8;
	[tilespmem:$0x18100] =	vst v63  }
0x6a: {  	v3 =	vadd.s32 v1, v3;
	s25 =	simm.s32 $0xD100  }
0x6b: {  	[tilespmem:s25], [sflag:$0x2] =	stream.indirect_vreg.gather [hbm4b:s6+s3], $0x80, v4, vm0, $0xb8;
	[tilespmem:$0x18100] =	vst v63  }
0x6c: {  	s25 =	simm.s32 $0xD900  }
0x6d: {  	[tilespmem:s25], [sflag:$0x2] =	stream.indirect_vreg.gather [hbm4b:s7+s3], $0x80, v4, vm0, $0xb8;
	[tilespmem:$0x18100] =	vst v63  }
0x6e: {  	s25 =	simm.s32 $0xE100  }
0x6f: {  	[tilespmem:s25], [sflag:$0x2] =	stream.indirect_vreg.gather [hbm4b:s2+s3], $0x80, v3, vm0, $0xb8;
	[tilespmem:$0x18100] =	vst v63  }
0x70: {  	s25 =	simm.s32 $0xE900  }
0x71: {  	[tilespmem:s25], [sflag:$0x2] =	stream.indirect_vreg.gather [hbm4b:s5+s3], $0x80, v3, vm0, $0xb8;
	[tilespmem:$0x18100] =	vst v63  }
0x72: {  	s25 =	simm.s32 $0xF100  }
0x73: {  	[tilespmem:s25], [sflag:$0x2] =	stream.indirect_vreg.gather [hbm4b:s6+s3], $0x80, v3, vm0, $0xb8;
	[tilespmem:$0x18100] =	vst v63  }
0x74: {  	s25 =	simm.s32 $0xF900  }
0x75: {  	[tilespmem:s25], [sflag:$0x2] =	stream.indirect_vreg.gather [hbm4b:s7+s3], $0x80, v3, vm0, $0xb8;
	[tilespmem:$0x18100] =	vst v63  }
0x76: {  	_ =	swait.ge [sflag:s19], $0x8000  }
0x77: {  	[sflag:s19] =	ssyncset.done $0x0  }
0x78: {  	s1 =	rddreg [dreg:$0x5];
	[sflag:s19] =	ssyncadd.s32 $0xFFFF8000  }
0x79: {  	[hbm4b:s1+s3] =	stream.linear.scatter [tilespmem:s0], [sflag:$0x5], $0x8000, $0x38;
	[tilespmem:$0x18100] =	vst v63  }
0x7a: {  	v3 =	vld [tilespmem:$0x40];
	_ =	sdelay $0x4  }
0x7b: {  	v52 =	vshll.u32 v3, $0x3  }
0x7c: {  	v3 =	vand.u32 $0x7, v3;
	v4 =	vand.u32 $0xFFFFFFC0, v52  }
0x7d: {  	v3 =	vor.u32 v3, v4  }
0x7e: {  	v4 =	vperm.xlane v3, v0;
	_ =	sdelay $0x1  }
0x7f: {  	v4 =	vadd.s32 v1, v4;
	_ =	sdelay $0x4  }
0x80: {  	[tilespmem:s10], [sflag:$0x3] =	stream.indirect_vreg.gather [hbm4b:s2+s3], $0x80, v4, vm0, $0xb8;
	[tilespmem:$0x18100] =	vst v63  }
0x81: {  	v3 =	vperm.xlane v3, v2  }
0x82: {  	[tilespmem:s20], [sflag:$0x3] =	stream.indirect_vreg.gather [hbm4b:s5+s3], $0x80, v4, vm0, $0xb8;
	[tilespmem:$0x18100] =	vst v63  }
0x83: {  	v3 =	vadd.s32 v1, v3  }
0x84: {  	[tilespmem:s24], [sflag:$0x3] =	stream.indirect_vreg.gather [hbm4b:s6+s3], $0x80, v4, vm0, $0xb8;
	[tilespmem:$0x18100] =	vst v63  }
0x85: {  	s1 =	simm.s32 $0x11900  }
0x86: {  	[tilespmem:s1], [sflag:$0x3] =	stream.indirect_vreg.gather [hbm4b:s7+s3], $0x80, v4, vm0, $0xb8;
	[tilespmem:$0x18100] =	vst v63  }
0x87: {  	_ = 	snop  }
0x88: {  	[tilespmem:s4], [sflag:$0x3] =	stream.indirect_vreg.gather [hbm4b:s2+s3], $0x80, v3, vm0, $0xb8;
	[tilespmem:$0x18100] =	vst v63  }
0x89: {  	_ = 	snop  }
0x8a: {  	[tilespmem:s9], [sflag:$0x3] =	stream.indirect_vreg.gather [hbm4b:s5+s3], $0x80, v3, vm0, $0xb8;
	[tilespmem:$0x18100] =	vst v63  }
0x8b: {  	_ = 	snop  }
0x8c: {  	[tilespmem:s11], [sflag:$0x3] =	stream.indirect_vreg.gather [hbm4b:s6+s3], $0x80, v3, vm0, $0xb8;
	[tilespmem:$0x18100] =	vst v63  }
0x8d: {  	_ = 	snop  }
0x8e: {  	[tilespmem:s12], [sflag:$0x3] =	stream.indirect_vreg.gather [hbm4b:s7+s3], $0x80, v3, vm0, $0xb8;
	[tilespmem:$0x18100] =	vst v63  }
0x8f: {  	v3 =	vld [tilespmem:$0x50];
	_ =	sdelay $0x4  }
0x90: {  	v53 =	vshll.u32 v3, $0x3  }
0x91: {  	v3 =	vand.u32 $0x7, v3;
	v4 =	vand.u32 $0xFFFFFFC0, v53  }
0x92: {  	v3 =	vor.u32 v3, v4  }
0x93: {  	v4 =	vperm.xlane v3, v0;
	_ =	sdelay $0x1  }
0x94: {  	v4 =	vadd.s32 v1, v4;
	_ =	sdelay $0x4  }
0x95: {  	[tilespmem:s13], [sflag:$0x3] =	stream.indirect_vreg.gather [hbm4b:s2+s3], $0x80, v4, vm0, $0xb8;
	[tilespmem:$0x18100] =	vst v63  }
0x96: {  	v3 =	vperm.xlane v3, v2  }
0x97: {  	[tilespmem:s14], [sflag:$0x3] =	stream.indirect_vreg.gather [hbm4b:s5+s3], $0x80, v4, vm0, $0xb8;
	[tilespmem:$0x18100] =	vst v63  }
0x98: {  	v3 =	vadd.s32 v1, v3  }
0x99: {  	[tilespmem:s15], [sflag:$0x3] =	stream.indirect_vreg.gather [hbm4b:s6+s3], $0x80, v4, vm0, $0xb8;
	[tilespmem:$0x18100] =	vst v63  }
0x9a: {  	_ = 	snop  }
0x9b: {  	[tilespmem:s16], [sflag:$0x3] =	stream.indirect_vreg.gather [hbm4b:s7+s3], $0x80, v4, vm0, $0xb8;
	[tilespmem:$0x18100] =	vst v63  }
0x9c: {  	_ = 	snop  }
0x9d: {  	[tilespmem:s17], [sflag:$0x3] =	stream.indirect_vreg.gather [hbm4b:s2+s3], $0x80, v3, vm0, $0xb8;
	[tilespmem:$0x18100] =	vst v63  }
0x9e: {  	_ = 	snop  }
0x9f: {  	[tilespmem:s18], [sflag:$0x3] =	stream.indirect_vreg.gather [hbm4b:s5+s3], $0x80, v3, vm0, $0xb8;
	[tilespmem:$0x18100] =	vst v63  }
0xa0: {  	_ = 	snop  }
0xa1: {  	[tilespmem:s21], [sflag:$0x3] =	stream.indirect_vreg.gather [hbm4b:s6+s3], $0x80, v3, vm0, $0xb8;
	[tilespmem:$0x18100] =	vst v63  }
0xa2: {  	_ = 	snop  }
0xa3: {  	[tilespmem:s29], [sflag:$0x3] =	stream.indirect_vreg.gather [hbm4b:s7+s3], $0x80, v3, vm0, $0xb8;
	[tilespmem:$0x18100] =	vst v63  }
0xa4: {  	_ =	swait.ge [sflag:s30], $0x8000  }
0xa5: {  	[sflag:s30] =	ssyncset.done $0x0  }
0xa6: {  	s25 =	rddreg [dreg:$0x6];
	[sflag:s30] =	ssyncadd.s32 $0xFFFF8000  }
0xa7: {  	[hbm4b:s25+s3] =	stream.linear.scatter [tilespmem:s10], [sflag:$0x6], $0x8000, $0x38;
	[tilespmem:$0x18100] =	vst v63  }
0xa8: {  	_ =	swait.ge [sflag:s22], $0x8000  }
0xa9: {  	[sflag:s22] =	ssyncset.done $0x0  }
0xaa: {  	[sflag:s22] =	ssyncadd.s32 $0xFFFF8000  }
0xab: {  	v3 =	vld [tilespmem:$0x60];
	_ =	sdelay $0x4  }
0xac: {  	v54 =	vshll.u32 v3, $0x3  }
0xad: {  	v3 =	vand.u32 $0x7, v3;
	v4 =	vand.u32 $0xFFFFFFC0, v54  }
0xae: {  	v3 =	vor.u32 v3, v4  }
0xaf: {  	v4 =	vperm.xlane v3, v0;
	_ =	sdelay $0x1  }
0xb0: {  	v4 =	vadd.s32 v1, v4;
	_ =	sdelay $0x4  }
0xb1: {  	[tilespmem:s28], [sflag:$0x1] =	stream.indirect_vreg.gather [hbm4b:s2+s3], $0x80, v4, vm0, $0xb8;
	[tilespmem:$0x18100] =	vst v63  }
0xb2: {  	s25 =	simm.s32 $0x900;
	v3 =	vperm.xlane v3, v2  }
0xb3: {  	[tilespmem:s25], [sflag:$0x1] =	stream.indirect_vreg.gather [hbm4b:s5+s3], $0x80, v4, vm0, $0xb8;
	[tilespmem:$0x18100] =	vst v63  }
0xb4: {  	v3 =	vadd.s32 v1, v3;
	s25 =	simm.s32 $0x1100  }
0xb5: {  	[tilespmem:s25], [sflag:$0x1] =	stream.indirect_vreg.gather [hbm4b:s6+s3], $0x80, v4, vm0, $0xb8;
	[tilespmem:$0x18100] =	vst v63  }
0xb6: {  	_ = 	snop  }
0xb7: {  	[tilespmem:s31], [sflag:$0x1] =	stream.indirect_vreg.gather [hbm4b:s7+s3], $0x80, v4, vm0, $0xb8;
	[tilespmem:$0x18100] =	vst v63  }
0xb8: {  	s25 =	simm.s32 $0x2100  }
0xb9: {  	[tilespmem:s25], [sflag:$0x1] =	stream.indirect_vreg.gather [hbm4b:s2+s3], $0x80, v3, vm0, $0xb8;
	[tilespmem:$0x18100] =	vst v63  }
0xba: {  	s25 =	simm.s32 $0x2900  }
0xbb: {  	[tilespmem:s25], [sflag:$0x1] =	stream.indirect_vreg.gather [hbm4b:s5+s3], $0x80, v3, vm0, $0xb8;
	[tilespmem:$0x18100] =	vst v63  }
0xbc: {  	s25 =	simm.s32 $0x3100  }
0xbd: {  	[tilespmem:s25], [sflag:$0x1] =	stream.indirect_vreg.gather [hbm4b:s6+s3], $0x80, v3, vm0, $0xb8;
	[tilespmem:$0x18100] =	vst v63  }
0xbe: {  	s25 =	simm.s32 $0x3900  }
0xbf: {  	[tilespmem:s25], [sflag:$0x1] =	stream.indirect_vreg.gather [hbm4b:s7+s3], $0x80, v3, vm0, $0xb8;
	[tilespmem:$0x18100] =	vst v63  }
0xc0: {  	v3 =	vld [tilespmem:$0x70];
	_ =	sdelay $0x4  }
0xc1: {  	v55 =	vshll.u32 v3, $0x3  }
0xc2: {  	v3 =	vand.u32 $0x7, v3;
	v4 =	vand.u32 $0xFFFFFFC0, v55  }
0xc3: {  	v3 =	vor.u32 v3, v4  }
0xc4: {  	v4 =	vperm.xlane v3, v0;
	_ =	sdelay $0x1  }
0xc5: {  	v4 =	vadd.s32 v1, v4;
	_ =	sdelay $0x3  }
0xc6: {  	s25 =	simm.s32 $0x4100  }
0xc7: {  	[tilespmem:s25], [sflag:$0x1] =	stream.indirect_vreg.gather [hbm4b:s2+s3], $0x80, v4, vm0, $0xb8;
	[tilespmem:$0x18100] =	vst v63  }
0xc8: {  	v3 =	vperm.xlane v3, v2;
	s25 =	simm.s32 $0x4900  }
0xc9: {  	[tilespmem:s25], [sflag:$0x1] =	stream.indirect_vreg.gather [hbm4b:s5+s3], $0x80, v4, vm0, $0xb8;
	[tilespmem:$0x18100] =	vst v63  }
0xca: {  	v3 =	vadd.s32 v1, v3;
	s25 =	simm.s32 $0x5100  }
0xcb: {  	[tilespmem:s25], [sflag:$0x1] =	stream.indirect_vreg.gather [hbm4b:s6+s3], $0x80, v4, vm0, $0xb8;
	[tilespmem:$0x18100] =	vst v63  }
0xcc: {  	s25 =	simm.s32 $0x5900  }
0xcd: {  	[tilespmem:s25], [sflag:$0x1] =	stream.indirect_vreg.gather [hbm4b:s7+s3], $0x80, v4, vm0, $0xb8;
	[tilespmem:$0x18100] =	vst v63  }
0xce: {  	s25 =	simm.s32 $0x6100  }
0xcf: {  	[tilespmem:s25], [sflag:$0x1] =	stream.indirect_vreg.gather [hbm4b:s2+s3], $0x80, v3, vm0, $0xb8;
	[tilespmem:$0x18100] =	vst v63  }
0xd0: {  	s25 =	simm.s32 $0x6900  }
0xd1: {  	[tilespmem:s25], [sflag:$0x1] =	stream.indirect_vreg.gather [hbm4b:s5+s3], $0x80, v3, vm0, $0xb8;
	[tilespmem:$0x18100] =	vst v63  }
0xd2: {  	s25 =	simm.s32 $0x7100  }
0xd3: {  	[tilespmem:s25], [sflag:$0x1] =	stream.indirect_vreg.gather [hbm4b:s6+s3], $0x80, v3, vm0, $0xb8;
	[tilespmem:$0x18100] =	vst v63  }
0xd4: {  	s25 =	simm.s32 $0x7900  }
0xd5: {  	[tilespmem:s25], [sflag:$0x1] =	stream.indirect_vreg.gather [hbm4b:s7+s3], $0x80, v3, vm0, $0xb8;
	[tilespmem:$0x18100] =	vst v63  }
0xd6: {  	_ =	swait.ge [sflag:s26], $0x8000  }
0xd7: {  	[sflag:s26] =	ssyncset.done $0x0  }
0xd8: {  	s25 =	rddreg [dreg:$0x7];
	[sflag:s26] =	ssyncadd.s32 $0xFFFF8000  }
0xd9: {  	[hbm4b:s25+s3] =	stream.linear.scatter [tilespmem:s28], [sflag:$0x4], $0x8000, $0x38;
	[tilespmem:$0x18100] =	vst v63  }
0xda: {  	_ =	swait.ge [sflag:s23], $0x8000  }
0xdb: {  	[sflag:s23] =	ssyncset.done $0x0  }
0xdc: {  	[sflag:s23] =	ssyncadd.s32 $0xFFFF8000  }
0xdd: {  	v3 =	vld [tilespmem:$0x80];
	_ =	sdelay $0x4  }
0xde: {  	v56 =	vshll.u32 v3, $0x3  }
0xdf: {  	v3 =	vand.u32 $0x7, v3;
	v4 =	vand.u32 $0xFFFFFFC0, v56  }
0xe0: {  	v3 =	vor.u32 v3, v4  }
0xe1: {  	v4 =	vperm.xlane v3, v0;
	_ =	sdelay $0x1  }
0xe2: {  	v4 =	vadd.s32 v1, v4;
	_ =	sdelay $0x4  }
0xe3: {  	[tilespmem:s0], [sflag:$0x2] =	stream.indirect_vreg.gather [hbm4b:s2+s3], $0x80, v4, vm0, $0xb8;
	[tilespmem:$0x18100] =	vst v63  }
0xe4: {  	s25 =	simm.s32 $0x8900;
	v3 =	vperm.xlane v3, v2  }
0xe5: {  	[tilespmem:s25], [sflag:$0x2] =	stream.indirect_vreg.gather [hbm4b:s5+s3], $0x80, v4, vm0, $0xb8;
	[tilespmem:$0x18100] =	vst v63  }
0xe6: {  	v3 =	vadd.s32 v1, v3;
	s25 =	simm.s32 $0x9100  }
0xe7: {  	[tilespmem:s25], [sflag:$0x2] =	stream.indirect_vreg.gather [hbm4b:s6+s3], $0x80, v4, vm0, $0xb8;
	[tilespmem:$0x18100] =	vst v63  }
0xe8: {  	s25 =	simm.s32 $0x9900  }
0xe9: {  	[tilespmem:s25], [sflag:$0x2] =	stream.indirect_vreg.gather [hbm4b:s7+s3], $0x80, v4, vm0, $0xb8;
	[tilespmem:$0x18100] =	vst v63  }
0xea: {  	s25 =	simm.s32 $0xA100  }
0xeb: {  	[tilespmem:s25], [sflag:$0x2] =	stream.indirect_vreg.gather [hbm4b:s2+s3], $0x80, v3, vm0, $0xb8;
	[tilespmem:$0x18100] =	vst v63  }
0xec: {  	s25 =	simm.s32 $0xA900  }
0xed: {  	[tilespmem:s25], [sflag:$0x2] =	stream.indirect_vreg.gather [hbm4b:s5+s3], $0x80, v3, vm0, $0xb8;
	[tilespmem:$0x18100] =	vst v63  }
0xee: {  	s25 =	simm.s32 $0xB100  }
0xef: {  	[tilespmem:s25], [sflag:$0x2] =	stream.indirect_vreg.gather [hbm4b:s6+s3], $0x80, v3, vm0, $0xb8;
	[tilespmem:$0x18100] =	vst v63  }
0xf0: {  	s25 =	simm.s32 $0xB900  }
0xf1: {  	[tilespmem:s25], [sflag:$0x2] =	stream.indirect_vreg.gather [hbm4b:s7+s3], $0x80, v3, vm0, $0xb8;
	[tilespmem:$0x18100] =	vst v63  }
0xf2: {  	v3 =	vld [tilespmem:$0x90];
	_ =	sdelay $0x4  }
0xf3: {  	v57 =	vshll.u32 v3, $0x3  }
0xf4: {  	v3 =	vand.u32 $0x7, v3;
	v4 =	vand.u32 $0xFFFFFFC0, v57  }
0xf5: {  	v3 =	vor.u32 v3, v4  }
0xf6: {  	v4 =	vperm.xlane v3, v0;
	_ =	sdelay $0x1  }
0xf7: {  	v4 =	vadd.s32 v1, v4;
	_ =	sdelay $0x3  }
0xf8: {  	s25 =	simm.s32 $0xC100  }
0xf9: {  	[tilespmem:s25], [sflag:$0x2] =	stream.indirect_vreg.gather [hbm4b:s2+s3], $0x80, v4, vm0, $0xb8;
	[tilespmem:$0x18100] =	vst v63  }
0xfa: {  	v3 =	vperm.xlane v3, v2;
	s25 =	simm.s32 $0xC900  }
0xfb: {  	[tilespmem:s25], [sflag:$0x2] =	stream.indirect_vreg.gather [hbm4b:s5+s3], $0x80, v4, vm0, $0xb8;
	[tilespmem:$0x18100] =	vst v63  }
0xfc: {  	v3 =	vadd.s32 v1, v3;
	s25 =	simm.s32 $0xD100  }
0xfd: {  	[tilespmem:s25], [sflag:$0x2] =	stream.indirect_vreg.gather [hbm4b:s6+s3], $0x80, v4, vm0, $0xb8;
	[tilespmem:$0x18100] =	vst v63  }
0xfe: {  	s25 =	simm.s32 $0xD900  }
0xff: {  	[tilespmem:s25], [sflag:$0x2] =	stream.indirect_vreg.gather [hbm4b:s7+s3], $0x80, v4, vm0, $0xb8;
	[tilespmem:$0x18100] =	vst v63  }
0x100: {  	s25 =	simm.s32 $0xE100  }
0x101: {  	[tilespmem:s25], [sflag:$0x2] =	stream.indirect_vreg.gather [hbm4b:s2+s3], $0x80, v3, vm0, $0xb8;
	[tilespmem:$0x18100] =	vst v63  }
0x102: {  	s25 =	simm.s32 $0xE900  }
0x103: {  	[tilespmem:s25], [sflag:$0x2] =	stream.indirect_vreg.gather [hbm4b:s5+s3], $0x80, v3, vm0, $0xb8;
	[tilespmem:$0x18100] =	vst v63  }
0x104: {  	s25 =	simm.s32 $0xF100  }
0x105: {  	[tilespmem:s25], [sflag:$0x2] =	stream.indirect_vreg.gather [hbm4b:s6+s3], $0x80, v3, vm0, $0xb8;
	[tilespmem:$0x18100] =	vst v63  }
0x106: {  	s25 =	simm.s32 $0xF900  }
0x107: {  	[tilespmem:s25], [sflag:$0x2] =	stream.indirect_vreg.gather [hbm4b:s7+s3], $0x80, v3, vm0, $0xb8;
	[tilespmem:$0x18100] =	vst v63  }
0x108: {  	_ =	swait.ge [sflag:s19], $0x8000  }
0x109: {  	[sflag:s19] =	ssyncset.done $0x0  }
0x10a: {  	s25 =	rddreg [dreg:$0x8];
	[sflag:s19] =	ssyncadd.s32 $0xFFFF8000  }
0x10b: {  	[hbm4b:s25+s3] =	stream.linear.scatter [tilespmem:s0], [sflag:$0x5], $0x8000, $0x38;
	[tilespmem:$0x18100] =	vst v63  }
0x10c: {  	s25 =	simm.s32 $0x6  }
0x10d: {  	_ =	swait.ge [sflag:s25], $0x8000  }
0x10e: {  	[sflag:s25] =	ssyncset.done $0x0  }
0x10f: {  	[sflag:s25] =	ssyncadd.s32 $0xFFFF8000  }
0x110: {  	v3 =	vld [tilespmem:$0xA0];
	_ =	sdelay $0x4  }
0x111: {  	v58 =	vshll.u32 v3, $0x3  }
0x112: {  	v3 =	vand.u32 $0x7, v3;
	v4 =	vand.u32 $0xFFFFFFC0, v58  }
0x113: {  	v3 =	vor.u32 v3, v4  }
0x114: {  	v4 =	vperm.xlane v3, v0;
	_ =	sdelay $0x1  }
0x115: {  	v4 =	vadd.s32 v1, v4;
	_ =	sdelay $0x4  }
0x116: {  	[tilespmem:s10], [sflag:$0x3] =	stream.indirect_vreg.gather [hbm4b:s2+s3], $0x80, v4, vm0, $0xb8;
	[tilespmem:$0x18100] =	vst v63  }
0x117: {  	v3 =	vperm.xlane v3, v2  }
0x118: {  	[tilespmem:s20], [sflag:$0x3] =	stream.indirect_vreg.gather [hbm4b:s5+s3], $0x80, v4, vm0, $0xb8;
	[tilespmem:$0x18100] =	vst v63  }
0x119: {  	v3 =	vadd.s32 v1, v3  }
0x11a: {  	[tilespmem:s24], [sflag:$0x3] =	stream.indirect_vreg.gather [hbm4b:s6+s3], $0x80, v4, vm0, $0xb8;
	[tilespmem:$0x18100] =	vst v63  }
0x11b: {  	_ = 	snop  }
0x11c: {  	[tilespmem:s1], [sflag:$0x3] =	stream.indirect_vreg.gather [hbm4b:s7+s3], $0x80, v4, vm0, $0xb8;
	[tilespmem:$0x18100] =	vst v63  }
0x11d: {  	_ = 	snop  }
0x11e: {  	[tilespmem:s4], [sflag:$0x3] =	stream.indirect_vreg.gather [hbm4b:s2+s3], $0x80, v3, vm0, $0xb8;
	[tilespmem:$0x18100] =	vst v63  }
0x11f: {  	_ = 	snop  }
0x120: {  	[tilespmem:s9], [sflag:$0x3] =	stream.indirect_vreg.gather [hbm4b:s5+s3], $0x80, v3, vm0, $0xb8;
	[tilespmem:$0x18100] =	vst v63  }
0x121: {  	_ = 	snop  }
0x122: {  	[tilespmem:s11], [sflag:$0x3] =	stream.indirect_vreg.gather [hbm4b:s6+s3], $0x80, v3, vm0, $0xb8;
	[tilespmem:$0x18100] =	vst v63  }
0x123: {  	_ = 	snop  }
0x124: {  	[tilespmem:s12], [sflag:$0x3] =	stream.indirect_vreg.gather [hbm4b:s7+s3], $0x80, v3, vm0, $0xb8;
	[tilespmem:$0x18100] =	vst v63  }
0x125: {  	v3 =	vld [tilespmem:$0xB0];
	_ =	sdelay $0x4  }
0x126: {  	v59 =	vshll.u32 v3, $0x3  }
0x127: {  	v3 =	vand.u32 $0x7, v3;
	v4 =	vand.u32 $0xFFFFFFC0, v59  }
0x128: {  	v3 =	vor.u32 v3, v4  }
0x129: {  	v4 =	vperm.xlane v3, v0;
	_ =	sdelay $0x1  }
0x12a: {  	v4 =	vadd.s32 v1, v4;
	_ =	sdelay $0x4  }
0x12b: {  	[tilespmem:s13], [sflag:$0x3] =	stream.indirect_vreg.gather [hbm4b:s2+s3], $0x80, v4, vm0, $0xb8;
	[tilespmem:$0x18100] =	vst v63  }
0x12c: {  	v3 =	vperm.xlane v3, v2  }
0x12d: {  	[tilespmem:s14], [sflag:$0x3] =	stream.indirect_vreg.gather [hbm4b:s5+s3], $0x80, v4, vm0, $0xb8;
	[tilespmem:$0x18100] =	vst v63  }
0x12e: {  	v3 =	vadd.s32 v1, v3  }
0x12f: {  	[tilespmem:s15], [sflag:$0x3] =	stream.indirect_vreg.gather [hbm4b:s6+s3], $0x80, v4, vm0, $0xb8;
	[tilespmem:$0x18100] =	vst v63  }
0x130: {  	_ = 	snop  }
0x131: {  	[tilespmem:s16], [sflag:$0x3] =	stream.indirect_vreg.gather [hbm4b:s7+s3], $0x80, v4, vm0, $0xb8;
	[tilespmem:$0x18100] =	vst v63  }
0x132: {  	_ = 	snop  }
0x133: {  	[tilespmem:s17], [sflag:$0x3] =	stream.indirect_vreg.gather [hbm4b:s2+s3], $0x80, v3, vm0, $0xb8;
	[tilespmem:$0x18100] =	vst v63  }
0x134: {  	_ = 	snop  }
0x135: {  	[tilespmem:s18], [sflag:$0x3] =	stream.indirect_vreg.gather [hbm4b:s5+s3], $0x80, v3, vm0, $0xb8;
	[tilespmem:$0x18100] =	vst v63  }
0x136: {  	_ = 	snop  }
0x137: {  	[tilespmem:s21], [sflag:$0x3] =	stream.indirect_vreg.gather [hbm4b:s6+s3], $0x80, v3, vm0, $0xb8;
	[tilespmem:$0x18100] =	vst v63  }
0x138: {  	_ = 	snop  }
0x139: {  	[tilespmem:s29], [sflag:$0x3] =	stream.indirect_vreg.gather [hbm4b:s7+s3], $0x80, v3, vm0, $0xb8;
	[tilespmem:$0x18100] =	vst v63  }
0x13a: {  	_ =	swait.ge [sflag:s30], $0x8000  }
0x13b: {  	[sflag:s30] =	ssyncset.done $0x0  }
0x13c: {  	s1 =	rddreg [dreg:$0x9];
	[sflag:s30] =	ssyncadd.s32 $0xFFFF8000  }
0x13d: {  	[hbm4b:s1+s3] =	stream.linear.scatter [tilespmem:s10], [sflag:$0x6], $0x8000, $0x38;
	[tilespmem:$0x18100] =	vst v63  }
0x13e: {  	_ =	swait.ge [sflag:s22], $0x8000  }
0x13f: {  	[sflag:s22] =	ssyncset.done $0x0  }
0x140: {  	[sflag:s22] =	ssyncadd.s32 $0xFFFF8000  }
0x141: {  	v3 =	vld [tilespmem:$0xC0];
	_ =	sdelay $0x4  }
0x142: {  	v60 =	vshll.u32 v3, $0x3  }
0x143: {  	v3 =	vand.u32 $0x7, v3;
	v4 =	vand.u32 $0xFFFFFFC0, v60  }
0x144: {  	v3 =	vor.u32 v3, v4  }
0x145: {  	v4 =	vperm.xlane v3, v0;
	_ =	sdelay $0x1  }
0x146: {  	v4 =	vadd.s32 v1, v4;
	_ =	sdelay $0x4  }
0x147: {  	[tilespmem:s28], [sflag:$0x1] =	stream.indirect_vreg.gather [hbm4b:s2+s3], $0x80, v4, vm0, $0xb8;
	[tilespmem:$0x18100] =	vst v63  }
0x148: {  	s25 =	simm.s32 $0x900;
	v3 =	vperm.xlane v3, v2  }
0x149: {  	[tilespmem:s25], [sflag:$0x1] =	stream.indirect_vreg.gather [hbm4b:s5+s3], $0x80, v4, vm0, $0xb8;
	[tilespmem:$0x18100] =	vst v63  }
0x14a: {  	v3 =	vadd.s32 v1, v3;
	s25 =	simm.s32 $0x1100  }
0x14b: {  	[tilespmem:s25], [sflag:$0x1] =	stream.indirect_vreg.gather [hbm4b:s6+s3], $0x80, v4, vm0, $0xb8;
	[tilespmem:$0x18100] =	vst v63  }
0x14c: {  	_ = 	snop  }
0x14d: {  	[tilespmem:s31], [sflag:$0x1] =	stream.indirect_vreg.gather [hbm4b:s7+s3], $0x80, v4, vm0, $0xb8;
	[tilespmem:$0x18100] =	vst v63  }
0x14e: {  	s25 =	simm.s32 $0x2100  }
0x14f: {  	[tilespmem:s25], [sflag:$0x1] =	stream.indirect_vreg.gather [hbm4b:s2+s3], $0x80, v3, vm0, $0xb8;
	[tilespmem:$0x18100] =	vst v63  }
0x150: {  	s25 =	simm.s32 $0x2900  }
0x151: {  	[tilespmem:s25], [sflag:$0x1] =	stream.indirect_vreg.gather [hbm4b:s5+s3], $0x80, v3, vm0, $0xb8;
	[tilespmem:$0x18100] =	vst v63  }
0x152: {  	s25 =	simm.s32 $0x3100  }
0x153: {  	[tilespmem:s25], [sflag:$0x1] =	stream.indirect_vreg.gather [hbm4b:s6+s3], $0x80, v3, vm0, $0xb8;
	[tilespmem:$0x18100] =	vst v63  }
0x154: {  	s25 =	simm.s32 $0x3900  }
0x155: {  	[tilespmem:s25], [sflag:$0x1] =	stream.indirect_vreg.gather [hbm4b:s7+s3], $0x80, v3, vm0, $0xb8;
	[tilespmem:$0x18100] =	vst v63  }
0x156: {  	v3 =	vld [tilespmem:$0xD0];
	_ =	sdelay $0x4  }
0x157: {  	v61 =	vshll.u32 v3, $0x3  }
0x158: {  	v3 =	vand.u32 $0x7, v3;
	v4 =	vand.u32 $0xFFFFFFC0, v61  }
0x159: {  	v3 =	vor.u32 v3, v4  }
0x15a: {  	v4 =	vperm.xlane v3, v0;
	_ =	sdelay $0x1  }
0x15b: {  	v4 =	vadd.s32 v1, v4;
	_ =	sdelay $0x3  }
0x15c: {  	s25 =	simm.s32 $0x4100  }
0x15d: {  	[tilespmem:s25], [sflag:$0x1] =	stream.indirect_vreg.gather [hbm4b:s2+s3], $0x80, v4, vm0, $0xb8;
	[tilespmem:$0x18100] =	vst v63  }
0x15e: {  	v3 =	vperm.xlane v3, v2;
	s25 =	simm.s32 $0x4900  }
0x15f: {  	[tilespmem:s25], [sflag:$0x1] =	stream.indirect_vreg.gather [hbm4b:s5+s3], $0x80, v4, vm0, $0xb8;
	[tilespmem:$0x18100] =	vst v63  }
0x160: {  	v3 =	vadd.s32 v1, v3;
	s25 =	simm.s32 $0x5100  }
0x161: {  	[tilespmem:s25], [sflag:$0x1] =	stream.indirect_vreg.gather [hbm4b:s6+s3], $0x80, v4, vm0, $0xb8;
	[tilespmem:$0x18100] =	vst v63  }
0x162: {  	s25 =	simm.s32 $0x5900  }
0x163: {  	[tilespmem:s25], [sflag:$0x1] =	stream.indirect_vreg.gather [hbm4b:s7+s3], $0x80, v4, vm0, $0xb8;
	[tilespmem:$0x18100] =	vst v63  }
0x164: {  	s25 =	simm.s32 $0x6100  }
0x165: {  	[tilespmem:s25], [sflag:$0x1] =	stream.indirect_vreg.gather [hbm4b:s2+s3], $0x80, v3, vm0, $0xb8;
	[tilespmem:$0x18100] =	vst v63  }
0x166: {  	s25 =	simm.s32 $0x6900  }
0x167: {  	[tilespmem:s25], [sflag:$0x1] =	stream.indirect_vreg.gather [hbm4b:s5+s3], $0x80, v3, vm0, $0xb8;
	[tilespmem:$0x18100] =	vst v63  }
0x168: {  	s25 =	simm.s32 $0x7100  }
0x169: {  	[tilespmem:s25], [sflag:$0x1] =	stream.indirect_vreg.gather [hbm4b:s6+s3], $0x80, v3, vm0, $0xb8;
	[tilespmem:$0x18100] =	vst v63  }
0x16a: {  	s25 =	simm.s32 $0x7900  }
0x16b: {  	[tilespmem:s25], [sflag:$0x1] =	stream.indirect_vreg.gather [hbm4b:s7+s3], $0x80, v3, vm0, $0xb8;
	[tilespmem:$0x18100] =	vst v63  }
0x16c: {  	_ =	swait.ge [sflag:s26], $0x8000  }
0x16d: {  	[sflag:s26] =	ssyncset.done $0x0  }
0x16e: {  	s1 =	rddreg [dreg:$0xa];
	[sflag:s26] =	ssyncadd.s32 $0xFFFF8000  }
0x16f: {  	[hbm4b:s1+s3] =	stream.linear.scatter [tilespmem:s28], [sflag:$0x4], $0x8000, $0x38;
	[tilespmem:$0x18100] =	vst v63  }
0x170: {  	_ =	swait.ge [sflag:s23], $0x8000  }
0x171: {  	[sflag:s23] =	ssyncset.done $0x0  }
0x172: {  	[sflag:s23] =	ssyncadd.s32 $0xFFFF8000  }
0x173: {  	v3 =	vld [tilespmem:$0xE0];
	_ =	sdelay $0x4  }
0x174: {  	v62 =	vshll.u32 v3, $0x3  }
0x175: {  	v3 =	vand.u32 $0x7, v3;
	v4 =	vand.u32 $0xFFFFFFC0, v62  }
0x176: {  	v3 =	vor.u32 v3, v4  }
0x177: {  	v4 =	vperm.xlane v3, v0;
	_ =	sdelay $0x1  }
0x178: {  	v4 =	vadd.s32 v1, v4;
	_ =	sdelay $0x4  }
0x179: {  	[tilespmem:s0], [sflag:$0x2] =	stream.indirect_vreg.gather [hbm4b:s2+s3], $0x80, v4, vm0, $0xb8;
	[tilespmem:$0x18100] =	vst v63  }
0x17a: {  	s25 =	simm.s32 $0x8900;
	v3 =	vperm.xlane v3, v2  }
0x17b: {  	[tilespmem:s25], [sflag:$0x2] =	stream.indirect_vreg.gather [hbm4b:s5+s3], $0x80, v4, vm0, $0xb8;
	[tilespmem:$0x18100] =	vst v63  }
0x17c: {  	v3 =	vadd.s32 v1, v3;
	s25 =	simm.s32 $0x9100  }
0x17d: {  	[tilespmem:s25], [sflag:$0x2] =	stream.indirect_vreg.gather [hbm4b:s6+s3], $0x80, v4, vm0, $0xb8;
	[tilespmem:$0x18100] =	vst v63  }
0x17e: {  	s25 =	simm.s32 $0x9900  }
0x17f: {  	[tilespmem:s25], [sflag:$0x2] =	stream.indirect_vreg.gather [hbm4b:s7+s3], $0x80, v4, vm0, $0xb8;
	[tilespmem:$0x18100] =	vst v63  }
0x180: {  	s25 =	simm.s32 $0xA100  }
0x181: {  	[tilespmem:s25], [sflag:$0x2] =	stream.indirect_vreg.gather [hbm4b:s2+s3], $0x80, v3, vm0, $0xb8;
	[tilespmem:$0x18100] =	vst v63  }
0x182: {  	s25 =	simm.s32 $0xA900  }
0x183: {  	[tilespmem:s25], [sflag:$0x2] =	stream.indirect_vreg.gather [hbm4b:s5+s3], $0x80, v3, vm0, $0xb8;
	[tilespmem:$0x18100] =	vst v63  }
0x184: {  	s25 =	simm.s32 $0xB100  }
0x185: {  	[tilespmem:s25], [sflag:$0x2] =	stream.indirect_vreg.gather [hbm4b:s6+s3], $0x80, v3, vm0, $0xb8;
	[tilespmem:$0x18100] =	vst v63  }
0x186: {  	s25 =	simm.s32 $0xB900  }
0x187: {  	[tilespmem:s25], [sflag:$0x2] =	stream.indirect_vreg.gather [hbm4b:s7+s3], $0x80, v3, vm0, $0xb8;
	[tilespmem:$0x18100] =	vst v63  }
0x188: {  	v3 =	vld [tilespmem:$0xF0];
	_ =	sdelay $0x4  }
0x189: {  	v63 =	vshll.u32 v3, $0x3  }
0x18a: {  	v3 =	vand.u32 $0x7, v3;
	v4 =	vand.u32 $0xFFFFFFC0, v63  }
0x18b: {  	v3 =	vor.u32 v3, v4  }
0x18c: {  	v4 =	vperm.xlane v3, v0;
	_ =	sdelay $0x1  }
0x18d: {  	v4 =	vadd.s32 v1, v4;
	_ =	sdelay $0x3  }
0x18e: {  	s25 =	simm.s32 $0xC100  }
0x18f: {  	[tilespmem:s25], [sflag:$0x2] =	stream.indirect_vreg.gather [hbm4b:s2+s3], $0x80, v4, vm0, $0xb8;
	[tilespmem:$0x18100] =	vst v63  }
0x190: {  	v3 =	vperm.xlane v3, v2;
	s25 =	simm.s32 $0xC900  }
0x191: {  	[tilespmem:s25], [sflag:$0x2] =	stream.indirect_vreg.gather [hbm4b:s5+s3], $0x80, v4, vm0, $0xb8;
	[tilespmem:$0x18100] =	vst v63  }
0x192: {  	v3 =	vadd.s32 v1, v3;
	s25 =	simm.s32 $0xD100  }
0x193: {  	[tilespmem:s25], [sflag:$0x2] =	stream.indirect_vreg.gather [hbm4b:s6+s3], $0x80, v4, vm0, $0xb8;
	[tilespmem:$0x18100] =	vst v63  }
0x194: {  	s25 =	simm.s32 $0xD900  }
0x195: {  	[tilespmem:s25], [sflag:$0x2] =	stream.indirect_vreg.gather [hbm4b:s7+s3], $0x80, v4, vm0, $0xb8;
	[tilespmem:$0x18100] =	vst v63  }
0x196: {  	s25 =	simm.s32 $0xE100  }
0x197: {  	[tilespmem:s25], [sflag:$0x2] =	stream.indirect_vreg.gather [hbm4b:s2+s3], $0x80, v3, vm0, $0xb8;
	[tilespmem:$0x18100] =	vst v63  }
0x198: {  	s25 =	simm.s32 $0xE900  }
0x199: {  	[tilespmem:s25], [sflag:$0x2] =	stream.indirect_vreg.gather [hbm4b:s5+s3], $0x80, v3, vm0, $0xb8;
	[tilespmem:$0x18100] =	vst v63  }
0x19a: {  	s25 =	simm.s32 $0xF100  }
0x19b: {  	[tilespmem:s25], [sflag:$0x2] =	stream.indirect_vreg.gather [hbm4b:s6+s3], $0x80, v3, vm0, $0xb8;
	[tilespmem:$0x18100] =	vst v63  }
0x19c: {  	s25 =	simm.s32 $0xF900  }
0x19d: {  	[tilespmem:s25], [sflag:$0x2] =	stream.indirect_vreg.gather [hbm4b:s7+s3], $0x80, v3, vm0, $0xb8;
	[tilespmem:$0x18100] =	vst v63  }
0x19e: {  	_ =	swait.ge [sflag:s19], $0x8000  }
0x19f: {  	[sflag:s19] =	ssyncset.done $0x0  }
0x1a0: {  	s1 =	rddreg [dreg:$0xb];
	[sflag:s19] =	ssyncadd.s32 $0xFFFF8000  }
0x1a1: {  	[hbm4b:s1+s3] =	stream.linear.scatter [tilespmem:s0], [sflag:$0x5], $0x8000, $0x38;
	[tilespmem:$0x18100] =	vst v63  }
0x1a2: {  	p0 =	sne.s32 s8, $0x1;
	_ =	swait.ge [sflag:s22], $0x8000  }
.Ltmp0:
0x1a3: {  	[sflag:s22] =	ssyncset.done $0x0;
	(pc) =	sbr.rel @p0 .LBB2_1-.Ltmp0, $4  }
0x1a4: {  	[sflag:s22] =	ssyncadd.s32 $0xFFFF8000  }
0x1a5: {  	_ =	swait.ge [sflag:s23], $0x8000  }
0x1a6: {  	[sflag:s23] =	ssyncset.done $0x0  }
0x1a7: {  	s8 =	sadd.s32 $0xFFFFFFFF, s8;
	[sflag:s23] =	ssyncadd.s32 $0xFFFF8000  }
0x1a8: {  	_ =	sfence.sel $0x180000  }
0x1a9: {  	[bflag:$0x0] =	sbarrier.arrive $0xFFFF  }
0x1aa: {  	_ =	strace $0x90000047  }
0x1ab: {  	s0 =	stileid.u32;
	[bflag:$0x2] =	sbarrier.arrive $0xFFFF  }
0x1ac: {  	p0 =	sne.s32 s0, $0x0;
	s0 =	rddreg [dreg:$0x3]  }
0x1ad: {  	s0 =	sadd.s32 @!p0 $0x100000, s0  }
0x1ae: {  	[sflag:s0] =	ssyncadd.tile.s32 @!p0 $0x1;
	_ =	shalt  }
.Lfunc_end2:
_tile_overlayer_lowered:
.L_overlay_start_2:
0x1af: {  	(tag) =	ssettag $0x2  }
0x1b0: {  	s0 =	rddreg [dreg:$0x0];
	s2 =	stileid.u32  }
0x1b1: {  	s1 =	rddreg [dreg:$0x1];
	p0 =	sne.s32 s2, $0x0  }
0x1b2: {  	s3 =	rddreg [dreg:$0x2];
	[bflag:$0x3] =	sbarrier.arrive $0xFFFF;
	s2 =	simm.s32 @!p0 $0x1C07  }
0x1b3: {  	[timem:s3], [sflag:s2] =	dma.local @!p0 [hbm:s0], s1  }
0x1b4: {  	s0 =	simm.s32 @!p0 $0x7  }
0x1b5: {  	_ =	swait.ge @!p0 [sflag:s0], s1  }
0x1b6: {  	s1 =	ssub.s32 @!p0 $0x0, s1;
	[sflag:s0] =	ssyncset.done @!p0 $0x0  }
0x1b7: {  	[sflag:s0] =	ssyncadd.s32 @!p0 s1  }
0x1b8: {  	[bflag:$0x3] =	sbarrier.arrive $0xFFFF  }
0x1b9: {  	_ =	shalt  }

</sc_bundles>
